<compile_context>
chip_gen: v7x
topology: tpu7x:2x2x1
jax: 0.10.2.dev20260603
libtpu: 0.0.44.dev20260713+nightly
codegen_flags: <defaults>
</compile_context>

<pallas_src>
import jax
import jax.numpy as jnp
from jax import lax
from jax.experimental import pallas as pl
from jax.experimental.pallas import tpu as pltpu
from jax.experimental.pallas import tpu_sc as plsc

N = 10000
E = 160000
D = 256
DH = 128
NC = 2
NS = 16
NW = NC * NS

EPT_H = E // NW
EPT_HP = EPT_H + 8
BINS_PT = 640
NBINS = NS * BINS_PT
EPT_A = E // NS
KCH = 125
NCH = EPT_A // KCH
ROWS_PT = N // NS


def _sc_mesh():
  return plsc.VectorSubcoreMesh(core_axis_name="c", subcore_axis_name="s")


_SC_PARAMS = pltpu.CompilerParams(needs_layout_passes=False,
                                  use_tc_tiling_on_sc=False)


def _hist_body(srcp_hbm, dstp_hbm, zeros_hbm, out_hbm,
               src_v, dst_v, hist_o, hist_i, rbuf, obuf, st_o, st_i):
  c = lax.axis_index("c")
  s = lax.axis_index("s")
  wid = c * NS + s

  pltpu.sync_copy(zeros_hbm, hist_o)
  pltpu.sync_copy(zeros_hbm, hist_i)
  pltpu.sync_copy(srcp_hbm.at[wid], src_v.at[pl.ds(0, EPT_H)])
  pltpu.sync_copy(dstp_hbm.at[wid], dst_v.at[pl.ds(0, EPT_H)])

  ones = jnp.ones((16,), jnp.float32)

  def chunk(i, carry):
    sidx = src_v[pl.ds(i * 16, 16)]
    didx = dst_v[pl.ds(i * 16, 16)]
    plsc.addupdate_scatter(hist_o, [sidx], ones)
    plsc.addupdate_scatter(hist_i, [didx], ones)
    return carry

  lax.fori_loop(0, EPT_H // 16, chunk, 0)
  tail = jnp.arange(16, dtype=jnp.int32) < (EPT_H - (EPT_H // 16) * 16)
  tb = (EPT_H // 16) * 16
  plsc.addupdate_scatter(hist_o, [src_v[pl.ds(tb, 16)]], ones, mask=tail)
  plsc.addupdate_scatter(hist_i, [dst_v[pl.ds(tb, 16)]], ones, mask=tail)

  pltpu.sync_copy(hist_o, st_o.at[s])
  pltpu.sync_copy(hist_i, st_i.at[s])
  plsc.subcore_barrier()

  for which, st in ((0, st_o), (1, st_i)):
    pltpu.sync_copy(st.at[:, pl.ds(s * BINS_PT, BINS_PT)], rbuf)

    def red(k, carry):
      tot = rbuf[0, pl.ds(k * 16, 16)]
      for r in range(1, NS):
        tot = tot + rbuf[r, pl.ds(k * 16, 16)]
      obuf[pl.ds(k * 16, 16)] = tot
      return carry

    lax.fori_loop(0, BINS_PT // 16, red, 0)
    pltpu.sync_copy(obuf, out_hbm.at[c, which, s])


@jax.jit
def _hist(srcp, dstp, zeros_bins):
  return pl.kernel(
      _hist_body,
      out_type=jax.ShapeDtypeStruct((NC, 2, NS, BINS_PT), jnp.float32),
      mesh=_sc_mesh(),
      compiler_params=_SC_PARAMS,
      scratch_types=[
          pltpu.VMEM((EPT_HP,), jnp.int32),
          pltpu.VMEM((EPT_HP,), jnp.int32),
          pltpu.VMEM((NBINS,), jnp.float32),
          pltpu.VMEM((NBINS,), jnp.float32),
          pltpu.VMEM((NS, BINS_PT), jnp.float32),
          pltpu.VMEM((BINS_PT,), jnp.float32),
          pltpu.VMEM_SHARED((NS, NBINS), jnp.float32),
          pltpu.VMEM_SHARED((NS, NBINS), jnp.float32),
      ],
  )(srcp, dstp, zeros_bins)


def _agg_body(h_hbm, src2_hbm, dst2_hbm, out_hbm,
              src_v, dst_v, gbuf0, gbuf1, acc, gsem0, gsem1):
  c = lax.axis_index("c")
  s = lax.axis_index("s")

  pltpu.sync_copy(src2_hbm.at[c, s], src_v)
  pltpu.sync_copy(dst2_hbm.at[s], dst_v)

  def gather(j, buf, sem):
    return pltpu.make_async_copy(h_hbm.at[src_v.at[j]], buf, sem)

  gather(0, gbuf0, gsem0).start()

  zero32 = jnp.zeros((32,), jnp.bfloat16)

  def zloop(i, carry):
    gbuf1[i >> 2, pl.ds((i & 3) * 32, 32)] = zero32
    return carry

  lax.fori_loop(0, KCH * 4, zloop, 0)
  for k in range(ROWS_PT // KCH):
    pltpu.sync_copy(gbuf1, acc.at[pl.ds(s * ROWS_PT + k * KCH, KCH)])
  rem = ROWS_PT % KCH
  if rem:
    pltpu.sync_copy(gbuf1.at[pl.ds(0, rem)],
                    acc.at[pl.ds(s * ROWS_PT + ROWS_PT - rem, rem)])
  plsc.subcore_barrier()

  gather(1, gbuf1, gsem1).start()

  def pair(p, carry):
    j0 = 2 * p
    j1 = j0 + 1
    gather(j0, gbuf0, gsem0).wait()
    pltpu.sync_copy(gbuf0, acc.at[dst_v.at[j0]], add=True)

    @pl.when(j0 + 2 < NCH)
    def _():
      gather(j0 + 2, gbuf0, gsem0).start()

    gather(j1, gbuf1, gsem1).wait()
    pltpu.sync_copy(gbuf1, acc.at[dst_v.at[j1]], add=True)

    @pl.when(j1 + 2 < NCH)
    def _():
      gather(j1 + 2, gbuf1, gsem1).start()

    return carry

  lax.fori_loop(0, NCH // 2, pair, 0)

  plsc.subcore_barrier()
  pltpu.sync_copy(acc.at[pl.ds(s * ROWS_PT, ROWS_PT)],
                  out_hbm.at[c, pl.ds(s * ROWS_PT, ROWS_PT)])


@jax.jit
def _agg(h_flat, src2, dst2):
  return pl.kernel(
      _agg_body,
      out_type=jax.ShapeDtypeStruct((NC, N, DH), jnp.bfloat16),
      mesh=_sc_mesh(),
      compiler_params=_SC_PARAMS,
      scratch_types=[
          pltpu.VMEM((NCH, KCH), jnp.int32),
          pltpu.VMEM((NCH, KCH), jnp.int32),
          pltpu.VMEM((KCH, DH), jnp.bfloat16),
          pltpu.VMEM((KCH, DH), jnp.bfloat16),
          pltpu.VMEM_SHARED((N, DH), jnp.bfloat16),
          pltpu.SemaphoreType.DMA,
          pltpu.SemaphoreType.DMA,
      ],
  )(h_flat, src2, dst2)


BR = 5000


def _tc1_body(x_ref, w_ref, b_ref, dego_ref, out_ref):
  h = jnp.dot(x_ref[...], w_ref[...], preferred_element_type=jnp.float32)
  h = h + b_ref[...]
  a = lax.rsqrt(jnp.clip(dego_ref[0] + dego_ref[1], 1.0))
  h = (h * a).astype(jnp.bfloat16)
  out_ref[0] = h[:, :DH]
  out_ref[1] = h[:, DH:]


@jax.jit
def _tc1(x, W1, b1, dego):
  return pl.pallas_call(
      _tc1_body,
      grid=(N // BR,),
      in_specs=[
          pl.BlockSpec((BR, D), lambda i: (i, 0)),
          pl.BlockSpec((D, D), lambda i: (0, 0)),
          pl.BlockSpec((1, D), lambda i: (0, 0)),
          pl.BlockSpec((2, BR, 1), lambda i: (0, i, 0)),
      ],
      out_specs=pl.BlockSpec((2, BR, DH), lambda i: (0, i, 0)),
      out_shape=jax.ShapeDtypeStruct((2, N, DH), jnp.bfloat16),
  )(x, W1, b1, dego)


def _tc2_body(t_ref, degi_ref, dego_ref, g_ref, be_ref, w_ref, b2_ref,
              out_ref):
  t = jnp.concatenate([t_ref[0], t_ref[1]], axis=-1).astype(jnp.float32)
  bv = lax.rsqrt(jnp.clip(degi_ref[0] + degi_ref[1], 1.0))
  u = t * bv
  mu = jnp.mean(u, axis=-1, keepdims=True)
  var = jnp.mean((u - mu) ** 2, axis=-1, keepdims=True)
  ln = (u - mu) * lax.rsqrt(var + 1e-5) * g_ref[...] + be_ref[...]
  r = jnp.maximum(ln, 0.0)
  h = jnp.dot(r, w_ref[...], preferred_element_type=jnp.float32) + b2_ref[...]
  a = lax.rsqrt(jnp.clip(dego_ref[0] + dego_ref[1], 1.0))
  h = (h * a).astype(jnp.bfloat16)
  out_ref[0] = h[:, :DH]
  out_ref[1] = h[:, DH:]


@jax.jit
def _tc2(t1, degi, dego, gamma, beta, W2, b2):
  return pl.pallas_call(
      _tc2_body,
      grid=(N // BR,),
      in_specs=[
          pl.BlockSpec((2, BR, DH), lambda i: (0, i, 0)),
          pl.BlockSpec((2, BR, 1), lambda i: (0, i, 0)),
          pl.BlockSpec((2, BR, 1), lambda i: (0, i, 0)),
          pl.BlockSpec((1, D), lambda i: (0, 0)),
          pl.BlockSpec((1, D), lambda i: (0, 0)),
          pl.BlockSpec((D, D), lambda i: (0, 0)),
          pl.BlockSpec((1, D), lambda i: (0, 0)),
      ],
      out_specs=pl.BlockSpec((2, BR, DH), lambda i: (0, i, 0)),
      out_shape=jax.ShapeDtypeStruct((2, N, DH), jnp.bfloat16),
  )(t1, degi, dego, gamma, beta, W2, b2)


def _tc3_body(t_ref, degi_ref, out_ref):
  t = jnp.concatenate([t_ref[0], t_ref[1]], axis=-1).astype(jnp.float32)
  bv = lax.rsqrt(jnp.clip(degi_ref[0] + degi_ref[1], 1.0))
  out_ref[...] = t * bv


@jax.jit
def _tc3(t2, degi):
  return pl.pallas_call(
      _tc3_body,
      grid=(N // BR,),
      in_specs=[
          pl.BlockSpec((2, BR, DH), lambda i: (0, i, 0)),
          pl.BlockSpec((2, BR, 1), lambda i: (0, i, 0)),
      ],
      out_specs=pl.BlockSpec((BR, D), lambda i: (i, 0)),
      out_shape=jax.ShapeDtypeStruct((N, D), jnp.float32),
  )(t2, degi)


def kernel(x, edge_index, W1, b1, gamma1, beta1, W2, b2):
  ei = edge_index.astype(jnp.int32)
  src, dst = ei[0], ei[1]

  srcp = src.reshape(NW, EPT_H)
  dstp = dst.reshape(NW, EPT_H)
  zeros_bins = jnp.zeros((NBINS,), jnp.float32)
  degs = _hist(srcp, dstp, zeros_bins)
  dego = degs[:, 0].reshape(NC, NBINS)[:, :N, None]
  degi = degs[:, 1].reshape(NC, NBINS)[:, :N, None]

  src2 = jnp.stack([src, src + N]).reshape(NC, NS, NCH, KCH)
  dst2 = dst.reshape(NS, NCH, KCH)
  del srcp, dstp

  h1 = _tc1(x, W1, b1.reshape(1, D), dego)
  t1 = _agg(h1.reshape(NC * N, DH), src2, dst2)
  h2 = _tc2(t1, degi, dego, gamma1.reshape(1, D), beta1.reshape(1, D),
            W2, b2.reshape(1, D))
  t2 = _agg(h2.reshape(NC * N, DH), src2, dst2)
  return _tc3(t2, degi)

# --- scband reference (transcript-rebuilt; emitter-appended) ---
"""Pipeline reference for scband-gcn2-13907104104739 (READ-ONLY COPY).

The authoritative reference and input builder live on the scoring server;
editing this copy changes nothing except your own understanding.
"""

import jax, jax.numpy as jnp
import numpy as np

N_NODES = 10000
N_EDGES = 160000
D_IN = 256
D_HID = 256
D_OUT = 256


def setup_inputs(seed: int = 0) -> dict:
    key = jax.random.key(seed)
    ks = jax.random.split(key, 6)
    x = jax.random.normal(ks[0], (N_NODES, D_IN), dtype=jnp.float32)
    edge_index = jax.random.randint(ks[1], (2, N_EDGES), 0, N_NODES, dtype=jnp.int64)
    W1 = jax.random.normal(ks[2], (D_IN, D_HID), dtype=jnp.float32) * 0.05
    b1 = jnp.zeros((D_HID,), dtype=jnp.float32)
    gamma1 = jnp.ones((D_HID,), dtype=jnp.float32)
    beta1 = jnp.zeros((D_HID,), dtype=jnp.float32)
    W2 = jax.random.normal(ks[3], (D_HID, D_OUT), dtype=jnp.float32) * 0.05
    b2 = jnp.zeros((D_OUT,), dtype=jnp.float32)
    return {"x": x, "edge_index": edge_index, "W1": W1, "b1": b1,
            "gamma1": gamma1, "beta1": beta1, "W2": W2, "b2": b2}


def _gcn_aggregate(h, edge_index):
    # symmetric-normalized GCN aggregation: out[d] += h[s] / sqrt(deg(s)*deg(d))
    src = edge_index[0]
    dst = edge_index[1]
    n = h.shape[0]
    ones = jnp.ones((edge_index.shape[1],), dtype=h.dtype)
    deg_out = jnp.zeros((n,), dtype=h.dtype).at[src].add(ones)
    deg_in = jnp.zeros((n,), dtype=h.dtype).at[dst].add(ones)
    norm = jax.lax.rsqrt(jnp.clip(deg_out, 1.0)[src]) * jax.lax.rsqrt(jnp.clip(deg_in, 1.0)[dst])
    msgs = h[src] * norm[:, None]
    out = jnp.zeros_like(h).at[dst].add(msgs)
    return out


def _layer_norm(h, gamma, beta, eps=1e-5):
    mu = jnp.mean(h, axis=-1, keepdims=True)
    var = jnp.mean((h - mu) ** 2, axis=-1, keepdims=True)
    return (h - mu) * jax.lax.rsqrt(var + eps) * gamma + beta


def reference(x, edge_index, W1, b1, gamma1, beta1, W2, b2):
    # gcn1: linear -> aggregate -> layer-norm (batch_norm=True) -> ReLU (default activation)
    h = x @ W1 + b1
    h = _gcn_aggregate(h, edge_index)
    h = _layer_norm(h, gamma1, beta1)
    h = jax.nn.relu(h)
    # gcn2: linear -> aggregate, activation='none', no norm
    h = h @ W2 + b2
    h = _gcn_aggregate(h, edge_index)
    return h

if __name__ == "__main__":
    import jax
    _d = setup_inputs()
    print(jax.jit(kernel)(*tuple(_d.values())))

</pallas_src>

<mosaic_0001>
#map = affine_map<(d0, d1) -> (0, 0)>
#map1 = affine_map<(d0, d1) -> (0)>
#map2 = affine_map<(d0, d1) -> (0, 0, 0, 0)>
module attributes {stable_mosaic.version = 14 : i64} {
  func.func @_hist_body(%arg0: i32, %arg1: i32, %arg2: memref<32x5000xi32, #tpu.memory_space<hbm>>, %arg3: memref<32x5000xi32, #tpu.memory_space<hbm>>, %arg4: memref<10240xf32, #tpu.memory_space<hbm>>, %arg5: memref<2x2x16x640xf32, #tpu.memory_space<hbm>>, %arg6: memref<5008xi32, #tpu.memory_space<vmem>>, %arg7: memref<5008xi32, #tpu.memory_space<vmem>>, %arg8: memref<10240xf32, #tpu.memory_space<vmem>>, %arg9: memref<10240xf32, #tpu.memory_space<vmem>>, %arg10: memref<16x640xf32, #tpu.memory_space<vmem>>, %arg11: memref<640xf32, #tpu.memory_space<vmem>>, %arg12: memref<16x10240xf32, #tpu.memory_space<vmem_shared>>, %arg13: memref<16x10240xf32, #tpu.memory_space<vmem_shared>>) attributes {dimension_semantics = [#tpu.dimension_semantics<core_parallel>, #tpu.dimension_semantics<subcore_parallel>], iteration_bounds = array<i64: 2, 16>, scalar_prefetch = 0 : i64, scratch_operands = 8 : i64, tpu.core_type = #tpu.core_type<sc_vector_subcore>, window_params = [{transform_indices = #map}, {transform_indices = #map}, {transform_indices = #map1}, {transform_indices = #map2}]} {
    %mul3A = arith.constant 16 : i32
    %mul3A_0 = arith.muli %arg0, %mul3A : i32
    %add3A = arith.addi %mul3A_0, %arg1 : i32
    "tpu.region"() ({
      %run_scoped3A_29 = tpu.sem_alloc : memref<!tpu.dma_semaphore, #tpu.memory_space<semaphore_mem>>
      tpu.enqueue_dma source(%arg4 : memref<10240xf32, #tpu.memory_space<hbm>>) target(%arg8 : memref<10240xf32, #tpu.memory_space<vmem>>) target_semaphore(%run_scoped3A_29 : memref<!tpu.dma_semaphore, #tpu.memory_space<semaphore_mem>>)
      tpu.wait_dma2 semaphore(%run_scoped3A_29 : memref<!tpu.dma_semaphore, #tpu.memory_space<semaphore_mem>>) src(%arg4 : memref<10240xf32, #tpu.memory_space<hbm>>) dst(%arg8 : memref<10240xf32, #tpu.memory_space<vmem>>)
      tpu.yield
    }) : () -> ()
    "tpu.region"() ({
      %run_scoped3A_29 = tpu.sem_alloc : memref<!tpu.dma_semaphore, #tpu.memory_space<semaphore_mem>>
      tpu.enqueue_dma source(%arg4 : memref<10240xf32, #tpu.memory_space<hbm>>) target(%arg9 : memref<10240xf32, #tpu.memory_space<vmem>>) target_semaphore(%run_scoped3A_29 : memref<!tpu.dma_semaphore, #tpu.memory_space<semaphore_mem>>)
      tpu.wait_dma2 semaphore(%run_scoped3A_29 : memref<!tpu.dma_semaphore, #tpu.memory_space<semaphore_mem>>) src(%arg4 : memref<10240xf32, #tpu.memory_space<hbm>>) dst(%arg9 : memref<10240xf32, #tpu.memory_space<vmem>>)
      tpu.yield
    }) : () -> ()
    "tpu.region"() ({
      %run_scoped3A_29 = tpu.sem_alloc : memref<!tpu.dma_semaphore, #tpu.memory_space<semaphore_mem>>
      %dma_start3A = arith.constant 0 : i32
      %dma_start3A_30 = tpu.memref_slice %arg6[%dma_start3A] : memref<5008xi32, #tpu.memory_space<vmem>> -> memref<5000xi32, #tpu.memory_space<vmem>>
      %dma_start3A_31 = arith.constant 0 : i32
      %dma_start3A_32 = tpu.memref_slice %arg2[%add3A, %dma_start3A_31] : memref<32x5000xi32, #tpu.memory_space<hbm>> -> memref<1x5000xi32, #tpu.memory_space<hbm>>
      %dma_start3A_33 = tpu.memref_squeeze %dma_start3A_32 : memref<1x5000xi32, #tpu.memory_space<hbm>> -> memref<5000xi32, #tpu.memory_space<hbm>>
      %dma_start3A_34 = arith.constant 0 : i32
      %dma_start3A_35 = tpu.memref_slice %arg6[%dma_start3A_34] : memref<5008xi32, #tpu.memory_space<vmem>> -> memref<5000xi32, #tpu.memory_space<vmem>>
      %dma_start3A_36 = arith.constant 0 : i32
      %dma_start3A_37 = tpu.memref_slice %arg2[%add3A, %dma_start3A_36] : memref<32x5000xi32, #tpu.memory_space<hbm>> -> memref<1x5000xi32, #tpu.memory_space<hbm>>
      %dma_start3A_38 = tpu.memref_squeeze %dma_start3A_37 : memref<1x5000xi32, #tpu.memory_space<hbm>> -> memref<5000xi32, #tpu.memory_space<hbm>>
      tpu.enqueue_dma source(%dma_start3A_38 : memref<5000xi32, #tpu.memory_space<hbm>>) target(%dma_start3A_35 : memref<5000xi32, #tpu.memory_space<vmem>>) target_semaphore(%run_scoped3A_29 : memref<!tpu.dma_semaphore, #tpu.memory_space<semaphore_mem>>)
      %dma_wait3A = arith.constant 0 : i32
      %dma_wait3A_39 = tpu.memref_slice %arg6[%dma_wait3A] : memref<5008xi32, #tpu.memory_space<vmem>> -> memref<5000xi32, #tpu.memory_space<vmem>>
      %dma_wait3A_40 = arith.constant 0 : i32
      %dma_wait3A_41 = tpu.memref_slice %arg2[%add3A, %dma_wait3A_40] : memref<32x5000xi32, #tpu.memory_space<hbm>> -> memref<1x5000xi32, #tpu.memory_space<hbm>>
      %dma_wait3A_42 = tpu.memref_squeeze %dma_wait3A_41 : memref<1x5000xi32, #tpu.memory_space<hbm>> -> memref<5000xi32, #tpu.memory_space<hbm>>
      %dma_wait3A_43 = arith.constant 0 : i32
      %dma_wait3A_44 = tpu.memref_slice %arg6[%dma_wait3A_43] : memref<5008xi32, #tpu.memory_space<vmem>> -> memref<5000xi32, #tpu.memory_space<vmem>>
      %dma_wait3A_45 = arith.constant 0 : i32
      %dma_wait3A_46 = tpu.memref_slice %arg2[%add3A, %dma_wait3A_45] : memref<32x5000xi32, #tpu.memory_space<hbm>> -> memref<1x5000xi32, #tpu.memory_space<hbm>>
      %dma_wait3A_47 = tpu.memref_squeeze %dma_wait3A_46 : memref<1x5000xi32, #tpu.memory_space<hbm>> -> memref<5000xi32, #tpu.memory_space<hbm>>
      tpu.wait_dma2 semaphore(%run_scoped3A_29 : memref<!tpu.dma_semaphore, #tpu.memory_space<semaphore_mem>>) src(%dma_wait3A_47 : memref<5000xi32, #tpu.memory_space<hbm>>) dst(%dma_wait3A_44 : memref<5000xi32, #tpu.memory_space<vmem>>)
      tpu.yield
    }) : () -> ()
    "tpu.region"() ({
      %run_scoped3A_29 = tpu.sem_alloc : memref<!tpu.dma_semaphore, #tpu.memory_space<semaphore_mem>>
      %dma_start3A = arith.constant 0 : i32
      %dma_start3A_30 = tpu.memref_slice %arg7[%dma_start3A] : memref<5008xi32, #tpu.memory_space<vmem>> -> memref<5000xi32, #tpu.memory_space<vmem>>
      %dma_start3A_31 = arith.constant 0 : i32
      %dma_start3A_32 = tpu.memref_slice %arg3[%add3A, %dma_start3A_31] : memref<32x5000xi32, #tpu.memory_space<hbm>> -> memref<1x5000xi32, #tpu.memory_space<hbm>>
      %dma_start3A_33 = tpu.memref_squeeze %dma_start3A_32 : memref<1x5000xi32, #tpu.memory_space<hbm>> -> memref<5000xi32, #tpu.memory_space<hbm>>
      %dma_start3A_34 = arith.constant 0 : i32
      %dma_start3A_35 = tpu.memref_slice %arg7[%dma_start3A_34] : memref<5008xi32, #tpu.memory_space<vmem>> -> memref<5000xi32, #tpu.memory_space<vmem>>
      %dma_start3A_36 = arith.constant 0 : i32
      %dma_start3A_37 = tpu.memref_slice %arg3[%add3A, %dma_start3A_36] : memref<32x5000xi32, #tpu.memory_space<hbm>> -> memref<1x5000xi32, #tpu.memory_space<hbm>>
      %dma_start3A_38 = tpu.memref_squeeze %dma_start3A_37 : memref<1x5000xi32, #tpu.memory_space<hbm>> -> memref<5000xi32, #tpu.memory_space<hbm>>
      tpu.enqueue_dma source(%dma_start3A_38 : memref<5000xi32, #tpu.memory_space<hbm>>) target(%dma_start3A_35 : memref<5000xi32, #tpu.memory_space<vmem>>) target_semaphore(%run_scoped3A_29 : memref<!tpu.dma_semaphore, #tpu.memory_space<semaphore_mem>>)
      %dma_wait3A = arith.constant 0 : i32
      %dma_wait3A_39 = tpu.memref_slice %arg7[%dma_wait3A] : memref<5008xi32, #tpu.memory_space<vmem>> -> memref<5000xi32, #tpu.memory_space<vmem>>
      %dma_wait3A_40 = arith.constant 0 : i32
      %dma_wait3A_41 = tpu.memref_slice %arg3[%add3A, %dma_wait3A_40] : memref<32x5000xi32, #tpu.memory_space<hbm>> -> memref<1x5000xi32, #tpu.memory_space<hbm>>
      %dma_wait3A_42 = tpu.memref_squeeze %dma_wait3A_41 : memref<1x5000xi32, #tpu.memory_space<hbm>> -> memref<5000xi32, #tpu.memory_space<hbm>>
      %dma_wait3A_43 = arith.constant 0 : i32
      %dma_wait3A_44 = tpu.memref_slice %arg7[%dma_wait3A_43] : memref<5008xi32, #tpu.memory_space<vmem>> -> memref<5000xi32, #tpu.memory_space<vmem>>
      %dma_wait3A_45 = arith.constant 0 : i32
      %dma_wait3A_46 = tpu.memref_slice %arg3[%add3A, %dma_wait3A_45] : memref<32x5000xi32, #tpu.memory_space<hbm>> -> memref<1x5000xi32, #tpu.memory_space<hbm>>
      %dma_wait3A_47 = tpu.memref_squeeze %dma_wait3A_46 : memref<1x5000xi32, #tpu.memory_space<hbm>> -> memref<5000xi32, #tpu.memory_space<hbm>>
      tpu.wait_dma2 semaphore(%run_scoped3A_29 : memref<!tpu.dma_semaphore, #tpu.memory_space<semaphore_mem>>) src(%dma_wait3A_47 : memref<5000xi32, #tpu.memory_space<hbm>>) dst(%dma_wait3A_44 : memref<5000xi32, #tpu.memory_space<vmem>>)
      tpu.yield
    }) : () -> ()
    %broadcast_in_dim3A = arith.constant 1.000000e+00 : f32
    %broadcast_in_dim3A_1 = vector.broadcast %broadcast_in_dim3A : f32 to vector<16xf32>
    %scan3A = arith.constant 0 : i32
    %scan3A_2 = arith.constant 0 : i32
    %scan3A_3 = arith.constant 312 : i32
    %scan3A_4 = arith.addi %scan3A_2, %scan3A_3 : i32
    %scan3A_5 = arith.constant 1 : i32
    scf.for %scan3A_29 = %scan3A_2 to %scan3A_4 step %scan3A_5  : i32 {
      %mul3A_30 = arith.constant 16 : i32
      %mul3A_31 = arith.muli %scan3A_29, %mul3A_30 : i32
      %get3A_32 = arith.index_cast %mul3A_31 : i32 to index
      %get3A_33 = tpu.vector_load %arg6[%get3A_32] {strides = array<i32>} : memref<5008xi32, #tpu.memory_space<vmem>>, vector<16xi32>,
      %mul3A_34 = arith.constant 16 : i32
      %mul3A_35 = arith.muli %scan3A_29, %mul3A_34 : i32
      %get3A_36 = arith.index_cast %mul3A_35 : i32 to index
      %get3A_37 = tpu.vector_load %arg7[%get3A_36] {strides = array<i32>} : memref<5008xi32, #tpu.memory_space<vmem>>, vector<16xi32>,
      tpu.vector_store_idx %arg8[%get3A_33], %broadcast_in_dim3A_1 {add = true} : memref<10240xf32, #tpu.memory_space<vmem>>[vector<16xi32>], vector<16xf32>,
      tpu.vector_store_idx %arg9[%get3A_37], %broadcast_in_dim3A_1 {add = true} : memref<10240xf32, #tpu.memory_space<vmem>>[vector<16xi32>], vector<16xf32>,
    }
    %scan3A_6 = arith.constant 312 : i32
    %iota3A = tpu.iota {dimensions = array<i32: 0>} : vector<16xi32>
    %lt3A = arith.constant 8 : i32
    %lt3A_7 = vector.broadcast %lt3A : i32 to vector<16xi32>
    %lt3A_8 = arith.cmpi slt, %iota3A, %lt3A_7 : vector<16xi32>
    %get3A = arith.constant 4992 : index
    %get3A_9 = tpu.vector_load %arg6[%get3A] {strides = array<i32>} : memref<5008xi32, #tpu.memory_space<vmem>>, vector<16xi32>,
    tpu.vector_store_idx %arg8[%get3A_9], %broadcast_in_dim3A_1 masked %lt3A_8 {add = true} : memref<10240xf32, #tpu.memory_space<vmem>>[vector<16xi32>], vector<16xf32>, vector<16xi1>
    %get3A_10 = arith.constant 4992 : index
    %get3A_11 = tpu.vector_load %arg7[%get3A_10] {strides = array<i32>} : memref<5008xi32, #tpu.memory_space<vmem>>, vector<16xi32>,
    tpu.vector_store_idx %arg9[%get3A_11], %broadcast_in_dim3A_1 masked %lt3A_8 {add = true} : memref<10240xf32, #tpu.memory_space<vmem>>[vector<16xi32>], vector<16xf32>, vector<16xi1>
    "tpu.region"() ({
      %run_scoped3A_29 = tpu.sem_alloc : memref<!tpu.dma_semaphore, #tpu.memory_space<semaphore_mem>>
      %dma_start3A = arith.constant 0 : i32
      %dma_start3A_30 = tpu.memref_slice %arg12[%arg1, %dma_start3A] : memref<16x10240xf32, #tpu.memory_space<vmem_shared>> -> memref<1x10240xf32, #tpu.memory_space<vmem_shared>>
      %dma_start3A_31 = tpu.memref_squeeze %dma_start3A_30 : memref<1x10240xf32, #tpu.memory_space<vmem_shared>> -> memref<10240xf32, #tpu.memory_space<vmem_shared>>
      %dma_start3A_32 = arith.constant 0 : i32
      %dma_start3A_33 = tpu.memref_slice %arg12[%arg1, %dma_start3A_32] : memref<16x10240xf32, #tpu.memory_space<vmem_shared>> -> memref<1x10240xf32, #tpu.memory_space<vmem_shared>>
      %dma_start3A_34 = tpu.memref_squeeze %dma_start3A_33 : memref<1x10240xf32, #tpu.memory_space<vmem_shared>> -> memref<10240xf32, #tpu.memory_space<vmem_shared>>
      tpu.enqueue_dma source(%arg8 : memref<10240xf32, #tpu.memory_space<vmem>>) target(%dma_start3A_34 : memref<10240xf32, #tpu.memory_space<vmem_shared>>) target_semaphore(%run_scoped3A_29 : memref<!tpu.dma_semaphore, #tpu.memory_space<semaphore_mem>>)
      %dma_wait3A = arith.constant 0 : i32
      %dma_wait3A_35 = tpu.memref_slice %arg12[%arg1, %dma_wait3A] : memref<16x10240xf32, #tpu.memory_space<vmem_shared>> -> memref<1x10240xf32, #tpu.memory_space<vmem_shared>>
      %dma_wait3A_36 = tpu.memref_squeeze %dma_wait3A_35 : memref<1x10240xf32, #tpu.memory_space<vmem_shared>> -> memref<10240xf32, #tpu.memory_space<vmem_shared>>
      %dma_wait3A_37 = arith.constant 0 : i32
      %dma_wait3A_38 = tpu.memref_slice %arg12[%arg1, %dma_wait3A_37] : memref<16x10240xf32, #tpu.memory_space<vmem_shared>> -> memref<1x10240xf32, #tpu.memory_space<vmem_shared>>
      %dma_wait3A_39 = tpu.memref_squeeze %dma_wait3A_38 : memref<1x10240xf32, #tpu.memory_space<vmem_shared>> -> memref<10240xf32, #tpu.memory_space<vmem_shared>>
      tpu.wait_dma2 semaphore(%run_scoped3A_29 : memref<!tpu.dma_semaphore, #tpu.memory_space<semaphore_mem>>) src(%arg8 : memref<10240xf32, #tpu.memory_space<vmem>>) dst(%dma_wait3A_39 : memref<10240xf32, #tpu.memory_space<vmem_shared>>)
      tpu.yield
    }) : () -> ()
    "tpu.region"() ({
      %run_scoped3A_29 = tpu.sem_alloc : memref<!tpu.dma_semaphore, #tpu.memory_space<semaphore_mem>>
      %dma_start3A = arith.constant 0 : i32
      %dma_start3A_30 = tpu.memref_slice %arg13[%arg1, %dma_start3A] : memref<16x10240xf32, #tpu.memory_space<vmem_shared>> -> memref<1x10240xf32, #tpu.memory_space<vmem_shared>>
      %dma_start3A_31 = tpu.memref_squeeze %dma_start3A_30 : memref<1x10240xf32, #tpu.memory_space<vmem_shared>> -> memref<10240xf32, #tpu.memory_space<vmem_shared>>
      %dma_start3A_32 = arith.constant 0 : i32
      %dma_start3A_33 = tpu.memref_slice %arg13[%arg1, %dma_start3A_32] : memref<16x10240xf32, #tpu.memory_space<vmem_shared>> -> memref<1x10240xf32, #tpu.memory_space<vmem_shared>>
      %dma_start3A_34 = tpu.memref_squeeze %dma_start3A_33 : memref<1x10240xf32, #tpu.memory_space<vmem_shared>> -> memref<10240xf32, #tpu.memory_space<vmem_shared>>
      tpu.enqueue_dma source(%arg9 : memref<10240xf32, #tpu.memory_space<vmem>>) target(%dma_start3A_34 : memref<10240xf32, #tpu.memory_space<vmem_shared>>) target_semaphore(%run_scoped3A_29 : memref<!tpu.dma_semaphore, #tpu.memory_space<semaphore_mem>>)
      %dma_wait3A = arith.constant 0 : i32
      %dma_wait3A_35 = tpu.memref_slice %arg13[%arg1, %dma_wait3A] : memref<16x10240xf32, #tpu.memory_space<vmem_shared>> -> memref<1x10240xf32, #tpu.memory_space<vmem_shared>>
      %dma_wait3A_36 = tpu.memref_squeeze %dma_wait3A_35 : memref<1x10240xf32, #tpu.memory_space<vmem_shared>> -> memref<10240xf32, #tpu.memory_space<vmem_shared>>
      %dma_wait3A_37 = arith.constant 0 : i32
      %dma_wait3A_38 = tpu.memref_slice %arg13[%arg1, %dma_wait3A_37] : memref<16x10240xf32, #tpu.memory_space<vmem_shared>> -> memref<1x10240xf32, #tpu.memory_space<vmem_shared>>
      %dma_wait3A_39 = tpu.memref_squeeze %dma_wait3A_38 : memref<1x10240xf32, #tpu.memory_space<vmem_shared>> -> memref<10240xf32, #tpu.memory_space<vmem_shared>>
      tpu.wait_dma2 semaphore(%run_scoped3A_29 : memref<!tpu.dma_semaphore, #tpu.memory_space<semaphore_mem>>) src(%arg9 : memref<10240xf32, #tpu.memory_space<vmem>>) dst(%dma_wait3A_39 : memref<10240xf32, #tpu.memory_space<vmem_shared>>)
      tpu.yield
    }) : () -> ()
    %barrier3A = arith.constant 0 : index
    tpu.barrier barrier_id(%barrier3A)
    %mul3A_12 = arith.constant 640 : i32
    %mul3A_13 = arith.muli %arg1, %mul3A_12 : i32
    "tpu.region"() ({
      %run_scoped3A_29 = tpu.sem_alloc : memref<!tpu.dma_semaphore, #tpu.memory_space<semaphore_mem>>
      %dma_start3A = arith.constant 0 : i32
      %dma_start3A_30 = tpu.memref_slice %arg12[%dma_start3A, %mul3A_13] : memref<16x10240xf32, #tpu.memory_space<vmem_shared>> -> memref<16x640xf32, #tpu.memory_space<vmem_shared>>
      %dma_start3A_31 = arith.constant 0 : i32
      %dma_start3A_32 = tpu.memref_slice %arg12[%dma_start3A_31, %mul3A_13] : memref<16x10240xf32, #tpu.memory_space<vmem_shared>> -> memref<16x640xf32, #tpu.memory_space<vmem_shared>>
      tpu.enqueue_dma source(%dma_start3A_32 : memref<16x640xf32, #tpu.memory_space<vmem_shared>>) target(%arg10 : memref<16x640xf32, #tpu.memory_space<vmem>>) target_semaphore(%run_scoped3A_29 : memref<!tpu.dma_semaphore, #tpu.memory_space<semaphore_mem>>)
      %dma_wait3A = arith.constant 0 : i32
      %dma_wait3A_33 = tpu.memref_slice %arg12[%dma_wait3A, %mul3A_13] : memref<16x10240xf32, #tpu.memory_space<vmem_shared>> -> memref<16x640xf32, #tpu.memory_space<vmem_shared>>
      %dma_wait3A_34 = arith.constant 0 : i32
      %dma_wait3A_35 = tpu.memref_slice %arg12[%dma_wait3A_34, %mul3A_13] : memref<16x10240xf32, #tpu.memory_space<vmem_shared>> -> memref<16x640xf32, #tpu.memory_space<vmem_shared>>
      tpu.wait_dma2 semaphore(%run_scoped3A_29 : memref<!tpu.dma_semaphore, #tpu.memory_space<semaphore_mem>>) src(%dma_wait3A_35 : memref<16x640xf32, #tpu.memory_space<vmem_shared>>) dst(%arg10 : memref<16x640xf32, #tpu.memory_space<vmem>>)
      tpu.yield
    }) : () -> ()
    %scan3A_14 = arith.constant 0 : i32
    %scan3A_15 = arith.constant 0 : i32
    %scan3A_16 = arith.constant 40 : i32
    %scan3A_17 = arith.addi %scan3A_15, %scan3A_16 : i32
    %scan3A_18 = arith.constant 1 : i32
    scf.for %scan3A_29 = %scan3A_15 to %scan3A_17 step %scan3A_18  : i32 {
      %mul3A_30 = arith.constant 16 : i32
      %mul3A_31 = arith.muli %scan3A_29, %mul3A_30 : i32
      %get3A_32 = arith.constant 0 : i32
      %get3A_33 = arith.index_cast %get3A_32 : i32 to index
      %get3A_34 = arith.index_cast %mul3A_31 : i32 to index
      %get3A_35 = tpu.vector_load %arg10[%get3A_33, %get3A_34] {strides = array<i32>} : memref<16x640xf32, #tpu.memory_space<vmem>>, vector<16xf32>,
      %mul3A_36 = arith.constant 16 : i32
      %mul3A_37 = arith.muli %scan3A_29, %mul3A_36 : i32
      %get3A_38 = arith.constant 1 : i32
      %get3A_39 = arith.index_cast %get3A_38 : i32 to index
      %get3A_40 = arith.index_cast %mul3A_37 : i32 to index
      %get3A_41 = tpu.vector_load %arg10[%get3A_39, %get3A_40] {strides = array<i32>} : memref<16x640xf32, #tpu.memory_space<vmem>>, vector<16xf32>,
      %add3A_42 = arith.addf %get3A_35, %get3A_41 : vector<16xf32>
      %mul3A_43 = arith.constant 16 : i32
      %mul3A_44 = arith.muli %scan3A_29, %mul3A_43 : i32
      %get3A_45 = arith.constant 2 : i32
      %get3A_46 = arith.index_cast %get3A_45 : i32 to index
      %get3A_47 = arith.index_cast %mul3A_44 : i32 to index
      %get3A_48 = tpu.vector_load %arg10[%get3A_46, %get3A_47] {strides = array<i32>} : memref<16x640xf32, #tpu.memory_space<vmem>>, vector<16xf32>,
      %add3A_49 = arith.addf %add3A_42, %get3A_48 : vector<16xf32>
      %mul3A_50 = arith.constant 16 : i32
      %mul3A_51 = arith.muli %scan3A_29, %mul3A_50 : i32
      %get3A_52 = arith.constant 3 : i32
      %get3A_53 = arith.index_cast %get3A_52 : i32 to index
      %get3A_54 = arith.index_cast %mul3A_51 : i32 to index
      %get3A_55 = tpu.vector_load %arg10[%get3A_53, %get3A_54] {strides = array<i32>} : memref<16x640xf32, #tpu.memory_space<vmem>>, vector<16xf32>,
      %add3A_56 = arith.addf %add3A_49, %get3A_55 : vector<16xf32>
      %mul3A_57 = arith.constant 16 : i32
      %mul3A_58 = arith.muli %scan3A_29, %mul3A_57 : i32
      %get3A_59 = arith.constant 4 : i32
      %get3A_60 = arith.index_cast %get3A_59 : i32 to index
      %get3A_61 = arith.index_cast %mul3A_58 : i32 to index
      %get3A_62 = tpu.vector_load %arg10[%get3A_60, %get3A_61] {strides = array<i32>} : memref<16x640xf32, #tpu.memory_space<vmem>>, vector<16xf32>,
      %add3A_63 = arith.addf %add3A_56, %get3A_62 : vector<16xf32>
      %mul3A_64 = arith.constant 16 : i32
      %mul3A_65 = arith.muli %scan3A_29, %mul3A_64 : i32
      %get3A_66 = arith.constant 5 : i32
      %get3A_67 = arith.index_cast %get3A_66 : i32 to index
      %get3A_68 = arith.index_cast %mul3A_65 : i32 to index
      %get3A_69 = tpu.vector_load %arg10[%get3A_67, %get3A_68] {strides = array<i32>} : memref<16x640xf32, #tpu.memory_space<vmem>>, vector<16xf32>,
      %add3A_70 = arith.addf %add3A_63, %get3A_69 : vector<16xf32>
      %mul3A_71 = arith.constant 16 : i32
      %mul3A_72 = arith.muli %scan3A_29, %mul3A_71 : i32
      %get3A_73 = arith.constant 6 : i32
      %get3A_74 = arith.index_cast %get3A_73 : i32 to index
      %get3A_75 = arith.index_cast %mul3A_72 : i32 to index
      %get3A_76 = tpu.vector_load %arg10[%get3A_74, %get3A_75] {strides = array<i32>} : memref<16x640xf32, #tpu.memory_space<vmem>>, vector<16xf32>,
      %add3A_77 = arith.addf %add3A_70, %get3A_76 : vector<16xf32>
      %mul3A_78 = arith.constant 16 : i32
      %mul3A_79 = arith.muli %scan3A_29, %mul3A_78 : i32
      %get3A_80 = arith.constant 7 : i32
      %get3A_81 = arith.index_cast %get3A_80 : i32 to index
      %get3A_82 = arith.index_cast %mul3A_79 : i32 to index
      %get3A_83 = tpu.vector_load %arg10[%get3A_81, %get3A_82] {strides = array<i32>} : memref<16x640xf32, #tpu.memory_space<vmem>>, vector<16xf32>,
      %add3A_84 = arith.addf %add3A_77, %get3A_83 : vector<16xf32>
      %mul3A_85 = arith.constant 16 : i32
      %mul3A_86 = arith.muli %scan3A_29, %mul3A_85 : i32
      %get3A_87 = arith.constant 8 : i32
      %get3A_88 = arith.index_cast %get3A_87 : i32 to index
      %get3A_89 = arith.index_cast %mul3A_86 : i32 to index
      %get3A_90 = tpu.vector_load %arg10[%get3A_88, %get3A_89] {strides = array<i32>} : memref<16x640xf32, #tpu.memory_space<vmem>>, vector<16xf32>,
      %add3A_91 = arith.addf %add3A_84, %get3A_90 : vector<16xf32>
      %mul3A_92 = arith.constant 16 : i32
      %mul3A_93 = arith.muli %scan3A_29, %mul3A_92 : i32
      %get3A_94 = arith.constant 9 : i32
      %get3A_95 = arith.index_cast %get3A_94 : i32 to index
      %get3A_96 = arith.index_cast %mul3A_93 : i32 to index
      %get3A_97 = tpu.vector_load %arg10[%get3A_95, %get3A_96] {strides = array<i32>} : memref<16x640xf32, #tpu.memory_space<vmem>>, vector<16xf32>,
      %add3A_98 = arith.addf %add3A_91, %get3A_97 : vector<16xf32>
      %mul3A_99 = arith.constant 16 : i32
      %mul3A_100 = arith.muli %scan3A_29, %mul3A_99 : i32
      %get3A_101 = arith.constant 10 : i32
      %get3A_102 = arith.index_cast %get3A_101 : i32 to index
      %get3A_103 = arith.index_cast %mul3A_100 : i32 to index
      %get3A_104 = tpu.vector_load %arg10[%get3A_102, %get3A_103] {strides = array<i32>} : memref<16x640xf32, #tpu.memory_space<vmem>>, vector<16xf32>,
      %add3A_105 = arith.addf %add3A_98, %get3A_104 : vector<16xf32>
      %mul3A_106 = arith.constant 16 : i32
      %mul3A_107 = arith.muli %scan3A_29, %mul3A_106 : i32
      %get3A_108 = arith.constant 11 : i32
      %get3A_109 = arith.index_cast %get3A_108 : i32 to index
      %get3A_110 = arith.index_cast %mul3A_107 : i32 to index
      %get3A_111 = tpu.vector_load %arg10[%get3A_109, %get3A_110] {strides = array<i32>} : memref<16x640xf32, #tpu.memory_space<vmem>>, vector<16xf32>,
      %add3A_112 = arith.addf %add3A_105, %get3A_111 : vector<16xf32>
      %mul3A_113 = arith.constant 16 : i32
      %mul3A_114 = arith.muli %scan3A_29, %mul3A_113 : i32
      %get3A_115 = arith.constant 12 : i32
      %get3A_116 = arith.index_cast %get3A_115 : i32 to index
      %get3A_117 = arith.index_cast %mul3A_114 : i32 to index
      %get3A_118 = tpu.vector_load %arg10[%get3A_116, %get3A_117] {strides = array<i32>} : memref<16x640xf32, #tpu.memory_space<vmem>>, vector<16xf32>,
      %add3A_119 = arith.addf %add3A_112, %get3A_118 : vector<16xf32>
      %mul3A_120 = arith.constant 16 : i32
      %mul3A_121 = arith.muli %scan3A_29, %mul3A_120 : i32
      %get3A_122 = arith.constant 13 : i32
      %get3A_123 = arith.index_cast %get3A_122 : i32 to index
      %get3A_124 = arith.index_cast %mul3A_121 : i32 to index
      %get3A_125 = tpu.vector_load %arg10[%get3A_123, %get3A_124] {strides = array<i32>} : memref<16x640xf32, #tpu.memory_space<vmem>>, vector<16xf32>,
      %add3A_126 = arith.addf %add3A_119, %get3A_125 : vector<16xf32>
      %mul3A_127 = arith.constant 16 : i32
      %mul3A_128 = arith.muli %scan3A_29, %mul3A_127 : i32
      %get3A_129 = arith.constant 14 : i32
      %get3A_130 = arith.index_cast %get3A_129 : i32 to index
      %get3A_131 = arith.index_cast %mul3A_128 : i32 to index
      %get3A_132 = tpu.vector_load %arg10[%get3A_130, %get3A_131] {strides = array<i32>} : memref<16x640xf32, #tpu.memory_space<vmem>>, vector<16xf32>,
      %add3A_133 = arith.addf %add3A_126, %get3A_132 : vector<16xf32>
      %mul3A_134 = arith.constant 16 : i32
      %mul3A_135 = arith.muli %scan3A_29, %mul3A_134 : i32
      %get3A_136 = arith.constant 15 : i32
      %get3A_137 = arith.index_cast %get3A_136 : i32 to index
      %get3A_138 = arith.index_cast %mul3A_135 : i32 to index
      %get3A_139 = tpu.vector_load %arg10[%get3A_137, %get3A_138] {strides = array<i32>} : memref<16x640xf32, #tpu.memory_space<vmem>>, vector<16xf32>,
      %add3A_140 = arith.addf %add3A_133, %get3A_139 : vector<16xf32>
      %mul3A_141 = arith.constant 16 : i32
      %mul3A_142 = arith.muli %scan3A_29, %mul3A_141 : i32
      %swap3A = arith.index_cast %mul3A_142 : i32 to index
      %swap3A_143 = tpu.vector_load %arg11[%swap3A] {strides = array<i32>} : memref<640xf32, #tpu.memory_space<vmem>>, vector<16xf32>,
      tpu.vector_store %arg11[%swap3A], %add3A_140 {strides = array<i32>} : memref<640xf32, #tpu.memory_space<vmem>>, vector<16xf32>,
    }
    %scan3A_19 = arith.constant 40 : i32
    %run_scoped3A = arith.constant 0 : i32
    "tpu.region"() ({
      %run_scoped3A_29 = tpu.sem_alloc : memref<!tpu.dma_semaphore, #tpu.memory_space<semaphore_mem>>
      %dma_start3A = arith.constant 0 : i32
      %dma_start3A_30 = tpu.memref_slice %arg5[%arg0, %run_scoped3A, %arg1, %dma_start3A] : memref<2x2x16x640xf32, #tpu.memory_space<hbm>> -> memref<1x1x1x640xf32, #tpu.memory_space<hbm>>
      %dma_start3A_31 = tpu.memref_squeeze %dma_start3A_30 : memref<1x1x1x640xf32, #tpu.memory_space<hbm>> -> memref<640xf32, #tpu.memory_space<hbm>>
      %dma_start3A_32 = arith.constant 0 : i32
      %dma_start3A_33 = tpu.memref_slice %arg5[%arg0, %run_scoped3A, %arg1, %dma_start3A_32] : memref<2x2x16x640xf32, #tpu.memory_space<hbm>> -> memref<1x1x1x640xf32, #tpu.memory_space<hbm>>
      %dma_start3A_34 = tpu.memref_squeeze %dma_start3A_33 : memref<1x1x1x640xf32, #tpu.memory_space<hbm>> -> memref<640xf32, #tpu.memory_space<hbm>>
      tpu.enqueue_dma source(%arg11 : memref<640xf32, #tpu.memory_space<vmem>>) target(%dma_start3A_34 : memref<640xf32, #tpu.memory_space<hbm>>) target_semaphore(%run_scoped3A_29 : memref<!tpu.dma_semaphore, #tpu.memory_space<semaphore_mem>>)
      %dma_wait3A = arith.constant 0 : i32
      %dma_wait3A_35 = tpu.memref_slice %arg5[%arg0, %run_scoped3A, %arg1, %dma_wait3A] : memref<2x2x16x640xf32, #tpu.memory_space<hbm>> -> memref<1x1x1x640xf32, #tpu.memory_space<hbm>>
      %dma_wait3A_36 = tpu.memref_squeeze %dma_wait3A_35 : memref<1x1x1x640xf32, #tpu.memory_space<hbm>> -> memref<640xf32, #tpu.memory_space<hbm>>
      %dma_wait3A_37 = arith.constant 0 : i32
      %dma_wait3A_38 = tpu.memref_slice %arg5[%arg0, %run_scoped3A, %arg1, %dma_wait3A_37] : memref<2x2x16x640xf32, #tpu.memory_space<hbm>> -> memref<1x1x1x640xf32, #tpu.memory_space<hbm>>
      %dma_wait3A_39 = tpu.memref_squeeze %dma_wait3A_38 : memref<1x1x1x640xf32, #tpu.memory_space<hbm>> -> memref<640xf32, #tpu.memory_space<hbm>>
      tpu.wait_dma2 semaphore(%run_scoped3A_29 : memref<!tpu.dma_semaphore, #tpu.memory_space<semaphore_mem>>) src(%arg11 : memref<640xf32, #tpu.memory_space<vmem>>) dst(%dma_wait3A_39 : memref<640xf32, #tpu.memory_space<hbm>>)
      tpu.yield
    }) : () -> ()
    %mul3A_20 = arith.constant 640 : i32
    %mul3A_21 = arith.muli %arg1, %mul3A_20 : i32
    "tpu.region"() ({
      %run_scoped3A_29 = tpu.sem_alloc : memref<!tpu.dma_semaphore, #tpu.memory_space<semaphore_mem>>
      %dma_start3A = arith.constant 0 : i32
      %dma_start3A_30 = tpu.memref_slice %arg13[%dma_start3A, %mul3A_21] : memref<16x10240xf32, #tpu.memory_space<vmem_shared>> -> memref<16x640xf32, #tpu.memory_space<vmem_shared>>
      %dma_start3A_31 = arith.constant 0 : i32
      %dma_start3A_32 = tpu.memref_slice %arg13[%dma_start3A_31, %mul3A_21] : memref<16x10240xf32, #tpu.memory_space<vmem_shared>> -> memref<16x640xf32, #tpu.memory_space<vmem_shared>>
      tpu.enqueue_dma source(%dma_start3A_32 : memref<16x640xf32, #tpu.memory_space<vmem_shared>>) target(%arg10 : memref<16x640xf32, #tpu.memory_space<vmem>>) target_semaphore(%run_scoped3A_29 : memref<!tpu.dma_semaphore, #tpu.memory_space<semaphore_mem>>)
      %dma_wait3A = arith.constant 0 : i32
      %dma_wait3A_33 = tpu.memref_slice %arg13[%dma_wait3A, %mul3A_21] : memref<16x10240xf32, #tpu.memory_space<vmem_shared>> -> memref<16x640xf32, #tpu.memory_space<vmem_shared>>
      %dma_wait3A_34 = arith.constant 0 : i32
      %dma_wait3A_35 = tpu.memref_slice %arg13[%dma_wait3A_34, %mul3A_21] : memref<16x10240xf32, #tpu.memory_space<vmem_shared>> -> memref<16x640xf32, #tpu.memory_space<vmem_shared>>
      tpu.wait_dma2 semaphore(%run_scoped3A_29 : memref<!tpu.dma_semaphore, #tpu.memory_space<semaphore_mem>>) src(%dma_wait3A_35 : memref<16x640xf32, #tpu.memory_space<vmem_shared>>) dst(%arg10 : memref<16x640xf32, #tpu.memory_space<vmem>>)
      tpu.yield
    }) : () -> ()
    %scan3A_22 = arith.constant 0 : i32
    %scan3A_23 = arith.constant 0 : i32
    %scan3A_24 = arith.constant 40 : i32
    %scan3A_25 = arith.addi %scan3A_23, %scan3A_24 : i32
    %scan3A_26 = arith.constant 1 : i32
    scf.for %scan3A_29 = %scan3A_23 to %scan3A_25 step %scan3A_26  : i32 {
      %mul3A_30 = arith.constant 16 : i32
      %mul3A_31 = arith.muli %scan3A_29, %mul3A_30 : i32
      %get3A_32 = arith.constant 0 : i32
      %get3A_33 = arith.index_cast %get3A_32 : i32 to index
      %get3A_34 = arith.index_cast %mul3A_31 : i32 to index
      %get3A_35 = tpu.vector_load %arg10[%get3A_33, %get3A_34] {strides = array<i32>} : memref<16x640xf32, #tpu.memory_space<vmem>>, vector<16xf32>,
      %mul3A_36 = arith.constant 16 : i32
      %mul3A_37 = arith.muli %scan3A_29, %mul3A_36 : i32
      %get3A_38 = arith.constant 1 : i32
      %get3A_39 = arith.index_cast %get3A_38 : i32 to index
      %get3A_40 = arith.index_cast %mul3A_37 : i32 to index
      %get3A_41 = tpu.vector_load %arg10[%get3A_39, %get3A_40] {strides = array<i32>} : memref<16x640xf32, #tpu.memory_space<vmem>>, vector<16xf32>,
      %add3A_42 = arith.addf %get3A_35, %get3A_41 : vector<16xf32>
      %mul3A_43 = arith.constant 16 : i32
      %mul3A_44 = arith.muli %scan3A_29, %mul3A_43 : i32
      %get3A_45 = arith.constant 2 : i32
      %get3A_46 = arith.index_cast %get3A_45 : i32 to index
      %get3A_47 = arith.index_cast %mul3A_44 : i32 to index
      %get3A_48 = tpu.vector_load %arg10[%get3A_46, %get3A_47] {strides = array<i32>} : memref<16x640xf32, #tpu.memory_space<vmem>>, vector<16xf32>,
      %add3A_49 = arith.addf %add3A_42, %get3A_48 : vector<16xf32>
      %mul3A_50 = arith.constant 16 : i32
      %mul3A_51 = arith.muli %scan3A_29, %mul3A_50 : i32
      %get3A_52 = arith.constant 3 : i32
      %get3A_53 = arith.index_cast %get3A_52 : i32 to index
      %get3A_54 = arith.index_cast %mul3A_51 : i32 to index
      %get3A_55 = tpu.vector_load %arg10[%get3A_53, %get3A_54] {strides = array<i32>} : memref<16x640xf32, #tpu.memory_space<vmem>>, vector<16xf32>,
      %add3A_56 = arith.addf %add3A_49, %get3A_55 : vector<16xf32>
      %mul3A_57 = arith.constant 16 : i32
      %mul3A_58 = arith.muli %scan3A_29, %mul3A_57 : i32
      %get3A_59 = arith.constant 4 : i32
      %get3A_60 = arith.index_cast %get3A_59 : i32 to index
      %get3A_61 = arith.index_cast %mul3A_58 : i32 to index
      %get3A_62 = tpu.vector_load %arg10[%get3A_60, %get3A_61] {strides = array<i32>} : memref<16x640xf32, #tpu.memory_space<vmem>>, vector<16xf32>,
      %add3A_63 = arith.addf %add3A_56, %get3A_62 : vector<16xf32>
      %mul3A_64 = arith.constant 16 : i32
      %mul3A_65 = arith.muli %scan3A_29, %mul3A_64 : i32
      %get3A_66 = arith.constant 5 : i32
      %get3A_67 = arith.index_cast %get3A_66 : i32 to index
      %get3A_68 = arith.index_cast %mul3A_65 : i32 to index
      %get3A_69 = tpu.vector_load %arg10[%get3A_67, %get3A_68] {strides = array<i32>} : memref<16x640xf32, #tpu.memory_space<vmem>>, vector<16xf32>,
      %add3A_70 = arith.addf %add3A_63, %get3A_69 : vector<16xf32>
      %mul3A_71 = arith.constant 16 : i32
      %mul3A_72 = arith.muli %scan3A_29, %mul3A_71 : i32
      %get3A_73 = arith.constant 6 : i32
      %get3A_74 = arith.index_cast %get3A_73 : i32 to index
      %get3A_75 = arith.index_cast %mul3A_72 : i32 to index
      %get3A_76 = tpu.vector_load %arg10[%get3A_74, %get3A_75] {strides = array<i32>} : memref<16x640xf32, #tpu.memory_space<vmem>>, vector<16xf32>,
      %add3A_77 = arith.addf %add3A_70, %get3A_76 : vector<16xf32>
      %mul3A_78 = arith.constant 16 : i32
      %mul3A_79 = arith.muli %scan3A_29, %mul3A_78 : i32
      %get3A_80 = arith.constant 7 : i32
      %get3A_81 = arith.index_cast %get3A_80 : i32 to index
      %get3A_82 = arith.index_cast %mul3A_79 : i32 to index
      %get3A_83 = tpu.vector_load %arg10[%get3A_81, %get3A_82] {strides = array<i32>} : memref<16x640xf32, #tpu.memory_space<vmem>>, vector<16xf32>,
      %add3A_84 = arith.addf %add3A_77, %get3A_83 : vector<16xf32>
      %mul3A_85 = arith.constant 16 : i32
      %mul3A_86 = arith.muli %scan3A_29, %mul3A_85 : i32
      %get3A_87 = arith.constant 8 : i32
      %get3A_88 = arith.index_cast %get3A_87 : i32 to index
      %get3A_89 = arith.index_cast %mul3A_86 : i32 to index
      %get3A_90 = tpu.vector_load %arg10[%get3A_88, %get3A_89] {strides = array<i32>} : memref<16x640xf32, #tpu.memory_space<vmem>>, vector<16xf32>,
      %add3A_91 = arith.addf %add3A_84, %get3A_90 : vector<16xf32>
      %mul3A_92 = arith.constant 16 : i32
      %mul3A_93 = arith.muli %scan3A_29, %mul3A_92 : i32
      %get3A_94 = arith.constant 9 : i32
      %get3A_95 = arith.index_cast %get3A_94 : i32 to index
      %get3A_96 = arith.index_cast %mul3A_93 : i32 to index
      %get3A_97 = tpu.vector_load %arg10[%get3A_95, %get3A_96] {strides = array<i32>} : memref<16x640xf32, #tpu.memory_space<vmem>>, vector<16xf32>,
      %add3A_98 = arith.addf %add3A_91, %get3A_97 : vector<16xf32>
      %mul3A_99 = arith.constant 16 : i32
      %mul3A_100 = arith.muli %scan3A_29, %mul3A_99 : i32
      %get3A_101 = arith.constant 10 : i32
      %get3A_102 = arith.index_cast %get3A_101 : i32 to index
      %get3A_103 = arith.index_cast %mul3A_100 : i32 to index
      %get3A_104 = tpu.vector_load %arg10[%get3A_102, %get3A_103] {strides = array<i32>} : memref<16x640xf32, #tpu.memory_space<vmem>>, vector<16xf32>,
      %add3A_105 = arith.addf %add3A_98, %get3A_104 : vector<16xf32>
      %mul3A_106 = arith.constant 16 : i32
      %mul3A_107 = arith.muli %scan3A_29, %mul3A_106 : i32
      %get3A_108 = arith.constant 11 : i32
      %get3A_109 = arith.index_cast %get3A_108 : i32 to index
      %get3A_110 = arith.index_cast %mul3A_107 : i32 to index
      %get3A_111 = tpu.vector_load %arg10[%get3A_109, %get3A_110] {strides = array<i32>} : memref<16x640xf32, #tpu.memory_space<vmem>>, vector<16xf32>,
      %add3A_112 = arith.addf %add3A_105, %get3A_111 : vector<16xf32>
      %mul3A_113 = arith.constant 16 : i32
      %mul3A_114 = arith.muli %scan3A_29, %mul3A_113 : i32
      %get3A_115 = arith.constant 12 : i32
      %get3A_116 = arith.index_cast %get3A_115 : i32 to index
      %get3A_117 = arith.index_cast %mul3A_114 : i32 to index
      %get3A_118 = tpu.vector_load %arg10[%get3A_116, %get3A_117] {strides = array<i32>} : memref<16x640xf32, #tpu.memory_space<vmem>>, vector<16xf32>,
      %add3A_119 = arith.addf %add3A_112, %get3A_118 : vector<16xf32>
      %mul3A_120 = arith.constant 16 : i32
      %mul3A_121 = arith.muli %scan3A_29, %mul3A_120 : i32
      %get3A_122 = arith.constant 13 : i32
      %get3A_123 = arith.index_cast %get3A_122 : i32 to index
      %get3A_124 = arith.index_cast %mul3A_121 : i32 to index
      %get3A_125 = tpu.vector_load %arg10[%get3A_123, %get3A_124] {strides = array<i32>} : memref<16x640xf32, #tpu.memory_space<vmem>>, vector<16xf32>,
      %add3A_126 = arith.addf %add3A_119, %get3A_125 : vector<16xf32>
      %mul3A_127 = arith.constant 16 : i32
      %mul3A_128 = arith.muli %scan3A_29, %mul3A_127 : i32
      %get3A_129 = arith.constant 14 : i32
      %get3A_130 = arith.index_cast %get3A_129 : i32 to index
      %get3A_131 = arith.index_cast %mul3A_128 : i32 to index
      %get3A_132 = tpu.vector_load %arg10[%get3A_130, %get3A_131] {strides = array<i32>} : memref<16x640xf32, #tpu.memory_space<vmem>>, vector<16xf32>,
      %add3A_133 = arith.addf %add3A_126, %get3A_132 : vector<16xf32>
      %mul3A_134 = arith.constant 16 : i32
      %mul3A_135 = arith.muli %scan3A_29, %mul3A_134 : i32
      %get3A_136 = arith.constant 15 : i32
      %get3A_137 = arith.index_cast %get3A_136 : i32 to index
      %get3A_138 = arith.index_cast %mul3A_135 : i32 to index
      %get3A_139 = tpu.vector_load %arg10[%get3A_137, %get3A_138] {strides = array<i32>} : memref<16x640xf32, #tpu.memory_space<vmem>>, vector<16xf32>,
      %add3A_140 = arith.addf %add3A_133, %get3A_139 : vector<16xf32>
      %mul3A_141 = arith.constant 16 : i32
      %mul3A_142 = arith.muli %scan3A_29, %mul3A_141 : i32
      %swap3A = arith.index_cast %mul3A_142 : i32 to index
      %swap3A_143 = tpu.vector_load %arg11[%swap3A] {strides = array<i32>} : memref<640xf32, #tpu.memory_space<vmem>>, vector<16xf32>,
      tpu.vector_store %arg11[%swap3A], %add3A_140 {strides = array<i32>} : memref<640xf32, #tpu.memory_space<vmem>>, vector<16xf32>,
    }
    %scan3A_27 = arith.constant 40 : i32
    %run_scoped3A_28 = arith.constant 1 : i32
    "tpu.region"() ({
      %run_scoped3A_29 = tpu.sem_alloc : memref<!tpu.dma_semaphore, #tpu.memory_space<semaphore_mem>>
      %dma_start3A = arith.constant 0 : i32
      %dma_start3A_30 = tpu.memref_slice %arg5[%arg0, %run_scoped3A_28, %arg1, %dma_start3A] : memref<2x2x16x640xf32, #tpu.memory_space<hbm>> -> memref<1x1x1x640xf32, #tpu.memory_space<hbm>>
      %dma_start3A_31 = tpu.memref_squeeze %dma_start3A_30 : memref<1x1x1x640xf32, #tpu.memory_space<hbm>> -> memref<640xf32, #tpu.memory_space<hbm>>
      %dma_start3A_32 = arith.constant 0 : i32
      %dma_start3A_33 = tpu.memref_slice %arg5[%arg0, %run_scoped3A_28, %arg1, %dma_start3A_32] : memref<2x2x16x640xf32, #tpu.memory_space<hbm>> -> memref<1x1x1x640xf32, #tpu.memory_space<hbm>>
      %dma_start3A_34 = tpu.memref_squeeze %dma_start3A_33 : memref<1x1x1x640xf32, #tpu.memory_space<hbm>> -> memref<640xf32, #tpu.memory_space<hbm>>
      tpu.enqueue_dma source(%arg11 : memref<640xf32, #tpu.memory_space<vmem>>) target(%dma_start3A_34 : memref<640xf32, #tpu.memory_space<hbm>>) target_semaphore(%run_scoped3A_29 : memref<!tpu.dma_semaphore, #tpu.memory_space<semaphore_mem>>)
      %dma_wait3A = arith.constant 0 : i32
      %dma_wait3A_35 = tpu.memref_slice %arg5[%arg0, %run_scoped3A_28, %arg1, %dma_wait3A] : memref<2x2x16x640xf32, #tpu.memory_space<hbm>> -> memref<1x1x1x640xf32, #tpu.memory_space<hbm>>
      %dma_wait3A_36 = tpu.memref_squeeze %dma_wait3A_35 : memref<1x1x1x640xf32, #tpu.memory_space<hbm>> -> memref<640xf32, #tpu.memory_space<hbm>>
      %dma_wait3A_37 = arith.constant 0 : i32
      %dma_wait3A_38 = tpu.memref_slice %arg5[%arg0, %run_scoped3A_28, %arg1, %dma_wait3A_37] : memref<2x2x16x640xf32, #tpu.memory_space<hbm>> -> memref<1x1x1x640xf32, #tpu.memory_space<hbm>>
      %dma_wait3A_39 = tpu.memref_squeeze %dma_wait3A_38 : memref<1x1x1x640xf32, #tpu.memory_space<hbm>> -> memref<640xf32, #tpu.memory_space<hbm>>
      tpu.wait_dma2 semaphore(%run_scoped3A_29 : memref<!tpu.dma_semaphore, #tpu.memory_space<semaphore_mem>>) src(%arg11 : memref<640xf32, #tpu.memory_space<vmem>>) dst(%dma_wait3A_39 : memref<640xf32, #tpu.memory_space<hbm>>)
      tpu.yield
    }) : () -> ()
    return
  }
}

</mosaic_0001>

<sc_bundles>
// kernel: _hist.3.cloned.1.call-start
scs
__scs_entry_jumppad:
0x0: {  	(pc) =	sbr.rel $0x88, $3  }
0x1: {  	(tag) =	ssettag $0x0;
	lr =	simm.s32 $0x1  }
0x2: {  	[smem:$0x3F9E] =	sst lr;
	_ =	strace $0xD0000000  }
0x3: {  	_ = 	snop  }
0x4: {  	_ = 	snop  }
0x5: {  	_ = 	snop  }
0x6: {  	_ = 	snop  }
0x7: {  	_ = 	snop  }
__scs_overlays_trampoline_lowered:
0x8: {  	[smem:$0x3FAD] =	sst s0  }
0x9: {  	[smem:$0x3FAE] =	sst s1  }
0xa: {  	[smem:$0x3FAF] =	sst s2  }
0xb: {  	[smem:$0x3FB0] =	sst s3  }
0xc: {  	[smem:$0x3FB1] =	sst s4  }
0xd: {  	[smem:$0x3FB2] =	sst s5  }
0xe: {  	[smem:$0x3FB3] =	sst s6  }
0xf: {  	[smem:$0x3FB4] =	sst s7  }
0x10: {  	[smem:$0x3FB5] =	sst s8  }
0x11: {  	[smem:$0x3FB6] =	sst s9;
	s0 =	simm.s32 @!p0 $0x0  }
0x12: {  	s1 =	sld [smem:$0x3F9C];
	s0 =	simm.s32 @p0 $0x1  }
0x13: {  	[smem:$0x3FB7] =	sst s0;
	s0 =	simm.s32 @!p1 $0x0  }
0x14: {  	s2 =	sld [smem:$0x3F9B];
	s0 =	simm.s32 @p1 $0x1  }
0x15: {  	[smem:$0x3FB8] =	sst s0;
	s0 =	simm.s32 @!p2 $0x0  }
0x16: {  	s3 =	sld [smem:$0x3FDB];
	s0 =	simm.s32 @p2 $0x1  }
0x17: {  	s4 =	simm.s32 $0x1BF5;
	[smem:$0x3FBA] =	sst s0  }
0x18: {  	s0 =	sld [smem:$0x3F9D];
	_ =	swait.ge [sflag:s4], $0x0  }
0x19: {  	s7 =	sld [smem:$0x3F9E]  }
0x1a: {  	s8 =	sadd.s32 $0xFFFFE003, lr  }
0x1b: {  	s9 =	sadd.s32 $0xFFFFFEF7, lr;
	s5 =	simm.s32 $0xFFFFFFFF;
	p2 =	slt.u32 s8, $0xFFFFF086  }
0x1c: {  	p1 =	slt.u32 s9, $0xF7A;
	s5 =	simm.s32 @!p2 $0x0  }
0x1d: {  	s5 =	simm.s32 @p1 $0x1;
	p0 =	seq.s32 s7, s2  }
0x1e: {  	s7 =	smul.u32 @!p0 $0xF7A, s2;
	p2 =	seq.s32 @!p0 s5, $0x0  }
0x1f: {  	s9 =	smul.u32 $0xF7A, s1;
	s8 =	simm.s32 @!p0 $0x1BF5;
	p2 =	por !p2, p0  }
0x20: {  	[sflag:s8] =	ssyncset.s32 @!p0 $0xFFFFF086;
	s6 =	sadd.s32 @!p0 s3, s7;
	s7 =	simm.s32 @!p0 $0x108  }
0x21: {  	s3 =	sadd.s32 s3, s9;
	s6 =	sadd.s32 @!p0 $0x88, s6;
	s7 =	simm.s32 @p2 $0x1082  }
0x22: {  	[simem:s7], [sflag:s8] =	dma.local @!p0 [hbm:s6], $0xF7A  }
0x23: {  	s9 =	sor.u32 $0xD0000000, s2;
	s6 =	simm.s32 $0x108;
	_ =	swait.ge @!p0 [sflag:s8], $0x0  }
0x24: {  	s3 =	sadd.s32 $0x88, s3;
	s6 =	simm.s32 @!p1 $0x1082;
	[sflag:s4] =	ssyncset.s32 $0xFFFFF086  }
0x25: {  	[simem:s6], [sflag:s4] =	dma.local [hbm:s3], $0xF7A  }
0x26: {  	[smem:$0x3F9E] =	sst s1;
	(tag) =	ssettag s2;
	_ =	strace s9  }
0x27: {  	s1 =	sld [smem:$0x3FAE]  }
0x28: {  	s2 =	sld [smem:$0x3FAF]  }
0x29: {  	s4 =	sld [smem:$0x3FB1]  }
0x2a: {  	p0 =	seq.s32 s5, $0x0;
	s5 =	sld [smem:$0x3FB2]  }
0x2b: {  	s6 =	sld [smem:$0x3FB3]  }
0x2c: {  	s7 =	sld [smem:$0x3FB4]  }
0x2d: {  	s3 =	simm.s32 $0x108;
	s8 =	sld [smem:$0x3FB5]  }
0x2e: {  	s3 =	simm.s32 @!p0 $0x1082;
	s9 =	sld [smem:$0x3FB6]  }
0x2f: {  	lr =	sadd.s32 s0, s3;
	s0 =	sld [smem:$0x3FAD]  }
0x30: {  	s3 =	sld [smem:$0x3FB0]  }
0x31: {  	[smem:$0x3FB9] =	sst s10  }
0x32: {  	s10 =	sld [smem:$0x3FB7];
	_ =	sdelay $0x3  }
0x33: {  	p0 =	seq.s32 s10, $0x1;
	s10 =	sld [smem:$0x3FB9];
	_ =	sdelay $0x3  }
0x34: {  	[smem:$0x3FB9] =	sst s10  }
0x35: {  	s10 =	sld [smem:$0x3FB8];
	_ =	sdelay $0x3  }
0x36: {  	p1 =	seq.s32 s10, $0x1;
	s10 =	sld [smem:$0x3FB9];
	_ =	sdelay $0x3  }
0x37: {  	[smem:$0x3FB9] =	sst s10  }
0x38: {  	s10 =	sld [smem:$0x3FBA]  }
0x39: {  	_ = 	snop;
	(pc) =	sbr.ind lr, $3  }
0x3a: {  	_ = 	snop  }
0x3b: {  	_ = 	snop  }
0x3c: {  	p2 =	seq.s32 s10, $0x1;
	s10 =	sld [smem:$0x3FB9]  }
0x3d: {  	_ =	shalt  }
0x3e: {  	_ =	shalt  }
0x3f: {  	_ =	shalt  }
0x40: {  	_ =	shalt  }
0x41: {  	_ =	shalt  }
0x42: {  	_ =	shalt  }
0x43: {  	_ =	shalt  }
0x44: {  	_ =	shalt  }
0x45: {  	_ =	shalt  }
0x46: {  	_ =	shalt  }
0x47: {  	_ =	shalt  }
0x48: {  	_ =	shalt  }
0x49: {  	_ =	shalt  }
0x4a: {  	_ =	shalt  }
0x4b: {  	_ =	shalt  }
0x4c: {  	_ =	shalt  }
0x4d: {  	_ =	shalt  }
0x4e: {  	_ =	shalt  }
0x4f: {  	_ =	shalt  }
0x50: {  	_ =	shalt  }
0x51: {  	_ =	shalt  }
0x52: {  	_ =	shalt  }
0x53: {  	_ =	shalt  }
0x54: {  	_ =	shalt  }
0x55: {  	_ =	shalt  }
0x56: {  	_ =	shalt  }
0x57: {  	_ =	shalt  }
0x58: {  	_ =	shalt  }
0x59: {  	_ =	shalt  }
0x5a: {  	_ =	shalt  }
0x5b: {  	_ =	shalt  }
0x5c: {  	_ =	shalt  }
0x5d: {  	_ =	shalt  }
0x5e: {  	_ =	shalt  }
0x5f: {  	_ =	shalt  }
0x60: {  	_ =	shalt  }
0x61: {  	_ =	shalt  }
0x62: {  	_ =	shalt  }
0x63: {  	_ =	shalt  }
0x64: {  	_ =	shalt  }
0x65: {  	_ =	shalt  }
0x66: {  	_ =	shalt  }
0x67: {  	_ =	shalt  }
0x68: {  	_ =	shalt  }
0x69: {  	_ =	shalt  }
0x6a: {  	_ =	shalt  }
0x6b: {  	_ =	shalt  }
0x6c: {  	_ =	shalt  }
0x6d: {  	_ =	shalt  }
0x6e: {  	_ =	shalt  }
0x6f: {  	_ =	shalt  }
0x70: {  	_ =	shalt  }
0x71: {  	_ =	shalt  }
0x72: {  	_ =	shalt  }
0x73: {  	_ =	shalt  }
0x74: {  	_ =	shalt  }
0x75: {  	_ =	shalt  }
0x76: {  	_ =	shalt  }
0x77: {  	_ =	shalt  }
0x78: {  	_ =	shalt  }
0x79: {  	_ =	shalt  }
0x7a: {  	_ =	shalt  }
0x7b: {  	_ =	shalt  }
0x7c: {  	_ =	shalt  }
0x7d: {  	_ =	shalt  }
0x7e: {  	_ =	shalt  }
0x7f: {  	_ =	shalt  }
0x80: {  	_ =	shalt  }
0x81: {  	_ =	shalt  }
0x82: {  	_ =	shalt  }
0x83: {  	_ =	shalt  }
0x84: {  	_ =	shalt  }
0x85: {  	_ =	shalt  }
0x86: {  	_ =	shalt  }
0x87: {  	_ =	shalt  }
.Lfunc_end0:
.L_simem_size_0:
called_computation_lowered:
.L_overlay_start_0:
0x88: {  	s2 =	sld [smem:$0x3FD9]  }
0x89: {  	s3 =	sld [smem:$0x3FFE];
	_ =	sdelay $0x1  }
0x8a: {  	s1 =	srdreg.scid  }
0x8b: {  	s0 =	sand.u32 $0x1, s1  }
0x8c: {  	s17 =	sshll.u32 s0, $0xA;
	s2 =	sadd.s32 s3, s2  }
0x8d: {  	s2 =	sadd.s32 s2, s17  }
0x8e: {  	[smem:$0x3FC5] =	sst s2  }
0x8f: {  	_ = 	snop  }
0x90: {  	s2 =	sld [smem:$0x3FC7];
	(tm) =	ssettm $0x1  }
0x91: {  	s18 =	sld [smem:$0x3FFB];
	_ =	sdelay $0x3  }
0x92: {  	_ =	strace s18  }
0x93: {  	s3 =	sld [smem:$0x3FFC];
	_ =	sdelay $0x3  }
0x94: {  	_ =	strace s3  }
0x95: {  	s3 =	sld [smem:$0x3FFD];
	_ =	sdelay $0x3  }
0x96: {  	_ =	strace s3  }
0x97: {  	_ =	strace $0x8FFFFFFF  }
0x98: {  	s19 =	sld [smem:$0x3FDB];
	_ =	sdelay $0x1  }
0x99: {  	s4 =	simm.s32 $_scs_section_size  }
0x9a: {  	s5 =	simm.s32 $_size__tile_overlayer_lowered;
	s6 =	simm.s32 $_tile_overlayer_lowered  }
0x9b: {  	s22 =	simm.s32 $0x1BFF;
	s21 =	sshll.u32 s6, $0x1;
	s3 =	sadd.s32 s4, s19  }
0x9c: {  	s7 =	simm.s32 $0x0;
	s20 =	sshll.u32 s5, $0x1;
	s5 =	sadd.s32 s21, s3  }
0x9d: {  	[timem:s7], [sflag:s22] =	dma.local [hbm:s5], s20  }
0x9e: {  	_ =	swait.ge [sflag:s22], s20  }
0x9f: {  	s4 =	ssub.s32 $0x0, s20;
	[sflag:s22] =	ssyncset.done $0x0  }
0xa0: {  	[sflag:s22] =	ssyncadd.s32 s4;
	_ =	sdelay $0x1  }
0xa1: {  	s23 =	simm.s32 $0x1B8B  }
0xa2: {  	_ =	swait.ge [sflag:s23], $0x1  }
0xa3: {  	[sflag:s23] =	ssyncset.done $0x0  }
0xa4: {  	s25 =	simm.s32 $0x1B8E;
	s24 =	sld [smem:$0x3FFE];
	[sflag:s23] =	ssyncadd.s32 $0xFFFFFFFF  }
0xa5: {  	s26 =	simm.s32 $execute0_lowered;
	[smem:$0x3FD2] =	sst s25  }
0xa6: {  	s5 =	sshll.u32 s26, $0x1;
	_ =	strace $0x80000046;
	[dreg:$0x1] =	wrdreg $0xFFFFFFFF  }
0xa7: {  	s28 =	simm.s32 $_size_execute0_lowered;
	s3 =	sadd.s32 s3, s5;
	[dreg:$0x0] =	wrdreg $0x0  }
0xa8: {  	s5 =	sshll.u32 s28, $0x1;
	[dreg:$0x2] =	wrdreg s3  }
0xa9: {  	[dreg:$0x3] =	wrdreg s5  }
0xaa: {  	[dreg:$0x4] =	wrdreg $0xC0  }
0xab: {  	_ =	task [dreg:s7], $0x5FFFF  }
0xac: {  	[dreg:$0x1] =	wrdreg $0xFFFFFFFF  }
0xad: {  	[dreg:$0x0] =	wrdreg $0x60  }
0xae: {  	[dreg:$0x2] =	wrdreg s24  }
0xaf: {  	[dreg:$0x3] =	wrdreg s2  }
0xb0: {  	[dreg:$0x4] =	wrdreg $0xA1A00  }
0xb1: {  	[dreg:$0x5] =	wrdreg $0xC9A00  }
0xb2: {  	[dreg:$0x6] =	wrdreg $0x9  }
0xb3: {  	_ =	task.clear_ibuf [dreg:s7], $0x7FFFF;
	_ =	strace $0x90000046  }
0xb4: {  	s29 =	simm.s32 $0x9;
	_ =	strace $0x80000048  }
0xb5: {  	_ =	swait.ge [sflag:s29], $0x1  }
0xb6: {  	[sflag:s29] =	ssyncadd.s32 $0xFFFFFFFF  }
0xb7: {  	_ =	strace $0x90000048  }
0xb8: {  	_ =	sfence  }
0xb9: {  	s30 =	sld [smem:$0x0];
	_ =	sdelay $0x2  }
0xba: {  	s31 =	sshll.u32 s1, $0xD;
	s1 =	sshrl.u32 s1, $0x2  }
0xbb: {  	s3 =	sand.u32 $0x4000, s31;
	s1 =	sadd.s32 s1, s30  }
0xbc: {  	s0 =	sor.u32 s3, s0;
	s1 =	sshll.u32 s1, $0x11  }
0xbd: {  	s0 =	sor.u32 s1, s0  }
0xbe: {  	s0 =	sadd.s32 $0x8F2B, s0  }
0xbf: {  	[sflag:s0] =	ssyncadd.remote.s32 $0x1  }
0xc0: {  	_ =	sfence.sel $0xFFFF  }
0xc1: {  	[dreg:$0x0] =	wrdreg $0xFFFFFFFF;
	(pc) =	sbr.abs _section_cstart, $3  }
0xc2: {  	[dreg:$0x1] =	wrdreg $0xFFFFFFFF  }
0xc3: {  	_ =	task.clear_ibuf [dreg:s7], $0x2FFFF;
	_ =	strace $0x9FFFFFFF  }
0xc4: {  	(tm) =	ssettm $0x7FFFFFFF  }
0xc5: {  	_ =	shalt  }
tec
execute0_lowered:
.L_overlay_start_1:
0x0: {  	(tag) =	ssettag $0x1  }
0x1: {  	s4 =	rddreg [dreg:$0x0]  }
0x2: {  	s1 =	rddreg [dreg:$0x1]  }
0x3: {  	s8 =	rddreg [dreg:$0x2]  }
0x4: {  	s10 =	rddreg [dreg:$0x3]  }
0x5: {  	s0 =	rddreg [dreg:$0x4];
	s5 =	srdreg.scid  }
0x6: {  	s2 =	stileid.u32;
	s3 =	simm.s32 $0x0;
	s15 =	simm.s32 $0x4F20  }
0x7: {  	s16 =	simm.s32 $0x1390;
	s17 =	simm.s32 $0x280;
	s18 =	simm.s32 $0x2800  }
0x8: {  	s19 =	simm.s32 $0x7720;
	s5 =	sand.u32 $0x1, s5;
	s11 =	smul.u32 $0x280, s2  }
0x9: {  	s20 =	simm.s32 $0x9F20;
	s12 =	smul.u32 $0x2800, s2;
	s6 =	sshll.u32 s5, $0x4  }
0xa: {  	s21 =	simm.s32 $0x0;
	s7 =	smul.u32 $0x5000, s5;
	s6 =	sor.u32 s2, s6  }
0xb: {  	[smem:$0x7FF] =	sst s3;
	s5 =	ssub.s32 $0x2, s5;
	s6 =	smul.u32 $0x271, s6  }
0xc: {  	_ =	strace $0x80000047;
	s9 =	sshrl.u32 s5, $0x1;
	s7 =	sadd.s32 s11, s7  }
0xd: {  	s14 =	ssub.s32 s5, s9;
	s7 =	sshrl.u32 s7, $0x3;
	s6 =	sadd.s32 s6, s4  }
0xe: {  	s13 =	sadd.s32 s7, s4;
	s7 =	sadd.s32 s12, s10;
	s10 =	sadd.s32 s11, s10  }
0xf: {  	s4 =	sadd.s32 $0x600, s6;
	s5 =	sadd.s32 $0x5600, s6;
	s6 =	sadd.s32 s12, s8  }
0x10: {  	s8 =	sadd.s32 s11, s8;
	s9 =	sadd.s32 $0xA600, s13;
	s11 =	sadd.s32 $0xAB00, s13  }
0x11: {  	v0 =	vimm.f32 $1.000000000e+00;
	s12 =	smax.u32 s14, $0x1;
	s13 =	simm.s32 $0x2720;
	s14 =	simm.s32 $0x1  }
.LBB2_1:
0x12: {  	[tilespmem:s13], [sflag:$0x1] =	stream.linear.gather [hbm4b:s1+s3], $0x2800, $0x38;
	[tilespmem:$0xF1A0] =	vst v63  }
0x13: {  	_ =	swait.ge [sflag:s14], $0x2800  }
0x14: {  	[sflag:s14] =	ssyncset.done $0x0  }
0x15: {  	[sflag:s14] =	ssyncadd.s32 $0xFFFFD800  }
0x16: {  	[tilespmem:s15], [sflag:$0x1] =	stream.linear.gather [hbm4b:s1+s3], $0x2800, $0x38;
	[tilespmem:$0xF1A0] =	vst v63  }
0x17: {  	_ =	swait.ge [sflag:s14], $0x2800  }
0x18: {  	[sflag:s14] =	ssyncset.done $0x0  }
0x19: {  	[sflag:s14] =	ssyncadd.s32 $0xFFFFD800  }
0x1a: {  	[tilespmem:s3], [sflag:$0x1] =	stream.linear.gather [hbm4b:s4+s3], $0x1388, $0x38;
	[tilespmem:$0xF1A0] =	vst v63  }
0x1b: {  	_ =	swait.ge [sflag:s14], $0x1388  }
0x1c: {  	[sflag:s14] =	ssyncset.done $0x0  }
0x1d: {  	[sflag:s14] =	ssyncadd.s32 $0xFFFFEC78  }
0x1e: {  	[tilespmem:s16], [sflag:$0x1] =	stream.linear.gather [hbm4b:s5+s3], $0x1388, $0x38;
	[tilespmem:$0xF1A0] =	vst v63  }
0x1f: {  	_ =	swait.ge [sflag:s14], $0x1388  }
0x20: {  	[sflag:s14] =	ssyncset.done $0x0  }
0x21: {  	s23 =	simm.s32 $0x0;
	[sflag:s14] =	ssyncadd.s32 $0xFFFFEC78  }
0x22: {  	s22 =	simm.s32 $0x40;
	v1 =	vld [tilespmem:s23+$0x0]  }
.LBB2_2:
0x23: {  	p0 =	sne.s32 s22, $0x4DC0;
	v2 =	vld [tilespmem:s23+$0x1390];
	_ =	sdelay $0x4  }
.Ltmp0:
0x24: {  	(pc) =	sbr.rel @p0 .LBB2_2-.Ltmp0, $4  }
0x25: {  	_ = 	snop  }
0x26: {  	[tilespmem:v1+s13+$0x0] =	vst.idx.add.f32.msk $0xffff, v0  }
0x27: {  	s23 =	sshra.s32 s22, $0x2;
	[tilespmem:v2+s15+$0x0] =	vst.idx.add.f32.msk $0xffff, v0  }
0x28: {  	s22 =	sadd.s32 $0x40, s22;
	v1 =	vld [tilespmem:s23+$0x0]  }
0x29: {  	_ = 	snop  }
0x2a: {  	v2 =	vld [tilespmem:s23+$0x1390];
	_ =	sdelay $0x6  }
0x2b: {  	[tilespmem:v1+s13+$0x0] =	vst.idx.add.f32.msk $0xffff, v0  }
0x2c: {  	[tilespmem:v2+s15+$0x0] =	vst.idx.add.f32.msk $0xffff, v0  }
0x2d: {  	v1 =	vld [tilespmem:$0x1380];
	_ =	sdelay $0x7  }
0x2e: {  	[tilespmem:v1+s13+$0x0] =	vst.idx.add.f32.msk $0xff, v0  }
0x2f: {  	v1 =	vld [tilespmem:$0x2710];
	_ =	sdelay $0x7  }
0x30: {  	[tilespmem:v1+s15+$0x0] =	vst.idx.add.f32.msk $0xff, v0  }
0x31: {  	[spmem:s6] =	stream.linear.scatter [tilespmem:s13], [sflag:$0x1], $0x2800, $0x38;
	[tilespmem:$0xF1A0] =	vst v63  }
0x32: {  	_ =	swait.ge [sflag:s14], $0x2800  }
0x33: {  	[sflag:s14] =	ssyncset.done $0x0  }
0x34: {  	[sflag:s14] =	ssyncadd.s32 $0xFFFFD800  }
0x35: {  	[spmem:s7] =	stream.linear.scatter [tilespmem:s15], [sflag:$0x1], $0x2800, $0x38;
	[tilespmem:$0xF1A0] =	vst v63  }
0x36: {  	_ =	swait.ge [sflag:s14], $0x2800  }
0x37: {  	[sflag:s14] =	ssyncset.done $0x0  }
0x38: {  	[sflag:s14] =	ssyncadd.s32 $0xFFFFD800  }
0x39: {  	[bflag:$0x0] =	sbarrier.arrive $0xFFFF  }
0x3a: {  	[tilespmem:s19], [sflag:$0x1] =	stream.strided.gather [spmem:s8], $0x2800, s18, s17, $0x38;
	[tilespmem:$0xF1A0] =	vst v63  }
0x3b: {  	_ =	swait.ge [sflag:s14], $0x2800  }
0x3c: {  	[sflag:s14] =	ssyncset.done $0x0  }
0x3d: {  	s23 =	simm.s32 $0x0;
	[sflag:s14] =	ssyncadd.s32 $0xFFFFD800  }
0x3e: {  	v1 =	vld [tilespmem:s23+$0x7720]  }
0x3f: {  	v2 =	vld [tilespmem:s23+$0x79A0];
	_ =	sdelay $0x1  }
0x40: {  	v3 =	vld [tilespmem:s23+$0x7C20];
	_ =	sdelay $0x1  }
0x41: {  	v4 =	vld [tilespmem:s23+$0x7EA0]  }
0x42: {  	v1 =	vadd.f32 v2, v1  }
0x43: {  	v2 =	vld [tilespmem:s23+$0x8120]  }
0x44: {  	v1 =	vadd.f32 v3, v1  }
0x45: {  	v3 =	vld [tilespmem:s23+$0x83A0]  }
0x46: {  	v1 =	vadd.f32 v4, v1  }
0x47: {  	v4 =	vld [tilespmem:s23+$0x8620]  }
0x48: {  	v1 =	vadd.f32 v2, v1  }
0x49: {  	v2 =	vld [tilespmem:s23+$0x88A0]  }
0x4a: {  	s22 =	simm.s32 $0x10;
	v5 =	vld [tilespmem:s23+$0x8B20];
	v1 =	vadd.f32 v3, v1  }
0x4b: {  	v6 =	vld [tilespmem:s22+$0x7720]  }
0x4c: {  	v3 =	vld [tilespmem:s23+$0x8DA0];
	v1 =	vadd.f32 v4, v1  }
0x4d: {  	v4 =	vld [tilespmem:s22+$0x79A0]  }
0x4e: {  	v7 =	vld [tilespmem:s22+$0x7C20];
	v1 =	vadd.f32 v2, v1  }
0x4f: {  	v2 =	vld [tilespmem:s23+$0x9020]  }
0x50: {  	v8 =	vld [tilespmem:s22+$0x7EA0];
	v1 =	vadd.f32 v5, v1  }
0x51: {  	v5 =	vld [tilespmem:s23+$0x92A0]  }
0x52: {  	v4 =	vadd.f32 v4, v6;
	v6 =	vld [tilespmem:s22+$0x8120];
	v1 =	vadd.f32 v3, v1  }
0x53: {  	v3 =	vld [tilespmem:s23+$0x9520]  }
0x54: {  	v4 =	vadd.f32 v7, v4;
	v7 =	vld [tilespmem:s22+$0x83A0];
	v1 =	vadd.f32 v2, v1  }
0x55: {  	v2 =	vld [tilespmem:s23+$0x97A0]  }
0x56: {  	v9 =	vld [tilespmem:s22+$0x8620];
	v4 =	vadd.f32 v8, v4;
	v1 =	vadd.f32 v5, v1  }
0x57: {  	v8 =	vld [tilespmem:s23+$0x9A20]  }
0x58: {  	v5 =	vadd.f32 v6, v4;
	v4 =	vld [tilespmem:s22+$0x88A0];
	v6 =	vadd.f32 v3, v1  }
0x59: {  	v3 =	vld [tilespmem:s23+$0x9CA0]  }
0x5a: {  	v1 =	vld [tilespmem:s22+$0x8DA0];
	v7 =	vadd.f32 v7, v5;
	v10 =	vadd.f32 v2, v6  }
0x5b: {  	s24 =	simm.s32 $0x20;
	v5 =	vld [tilespmem:s22+$0x8B20]  }
0x5c: {  	s25 =	simm.s32 $0xC0;
	v2 =	vld [tilespmem:s24+$0x7720];
	v6 =	vadd.f32 v9, v7;
	v7 =	vadd.f32 v8, v10  }
.LBB2_4:
0x5d: {  	p0 =	sne.s32 s25, $0x9C0;
	v8 =	vld [tilespmem:s24+$0x79A0]  }
0x5e: {  	v4 =	vadd.f32 v4, v6;
	v6 =	vld [tilespmem:s22+$0x9020];
	v3 =	vadd.f32 v3, v7  }
0x5f: {  	v7 =	vld [tilespmem:s24+$0x7C20]  }
0x60: {  	v4 =	vadd.f32 v5, v4;
	v5 =	vld [tilespmem:s22+$0x92A0];
	[tilespmem:s23+$0x9F20] =	vst v3;
	s23 =	smov.u32 s22;
	s22 =	smov.u32 s24  }
0x61: {  	v3 =	vld [tilespmem:s22+$0x7EA0]  }
0x62: {  	v2 =	vadd.f32 v8, v2;
	v1 =	vadd.f32 v1, v4;
	v4 =	vld [tilespmem:s23+$0x9520]  }
0x63: {  	v8 =	vld [tilespmem:s22+$0x8120]  }
0x64: {  	v2 =	vadd.f32 v7, v2;
	v1 =	vadd.f32 v6, v1;
	v6 =	vld [tilespmem:s23+$0x97A0]  }
0x65: {  	v7 =	vld [tilespmem:s22+$0x83A0]  }
0x66: {  	v2 =	vadd.f32 v3, v2;
	v1 =	vadd.f32 v5, v1;
	v9 =	vld [tilespmem:s23+$0x9A20]  }
0x67: {  	v10 =	vld [tilespmem:s22+$0x8620]  }
.Ltmp1:
0x68: {  	v2 =	vadd.f32 v8, v2;
	v5 =	vadd.f32 v4, v1;
	v3 =	vld [tilespmem:s23+$0x9CA0];
	(pc) =	sbr.rel @p0 .LBB2_4-.Ltmp1, $4  }
0x69: {  	v4 =	vld [tilespmem:s22+$0x88A0]  }
0x6a: {  	v7 =	vadd.f32 v7, v2;
	v1 =	vld [tilespmem:s22+$0x8DA0];
	v8 =	vadd.f32 v6, v5  }
0x6b: {  	s24 =	sshra.s32 s25, $0x2;
	v5 =	vld [tilespmem:s22+$0x8B20]  }
0x6c: {  	s25 =	sadd.s32 $0x40, s25;
	v2 =	vld [tilespmem:s24+$0x7720];
	v6 =	vadd.f32 v10, v7;
	v7 =	vadd.f32 v9, v8  }
0x6d: {  	v8 =	vld [tilespmem:s24+$0x79A0]  }
0x6e: {  	v9 =	vld [tilespmem:s22+$0x9020];
	v3 =	vadd.f32 v3, v7  }
0x6f: {  	v7 =	vld [tilespmem:s24+$0x7C20]  }
0x70: {  	v10 =	vld [tilespmem:s22+$0x92A0];
	v4 =	vadd.f32 v4, v6;
	[tilespmem:s23+$0x9F20] =	vst v3  }
0x71: {  	v3 =	vld [tilespmem:s24+$0x7EA0]  }
0x72: {  	v4 =	vadd.f32 v5, v4;
	v2 =	vadd.f32 v8, v2  }
0x73: {  	v5 =	vld [tilespmem:s24+$0x8120]  }
0x74: {  	v6 =	vld [tilespmem:s24+$0x83A0];
	v1 =	vadd.f32 v1, v4;
	v2 =	vadd.f32 v7, v2  }
0x75: {  	v4 =	vld [tilespmem:s22+$0x9520]  }
0x76: {  	v1 =	vadd.f32 v9, v1;
	v7 =	vld [tilespmem:s22+$0x97A0];
	v2 =	vadd.f32 v3, v2  }
0x77: {  	v3 =	vld [tilespmem:s24+$0x8620]  }
0x78: {  	v8 =	vld [tilespmem:s22+$0x9A20];
	v1 =	vadd.f32 v10, v1;
	v2 =	vadd.f32 v5, v2  }
0x79: {  	v5 =	vld [tilespmem:s24+$0x88A0]  }
0x7a: {  	v1 =	vadd.f32 v4, v1;
	v4 =	vld [tilespmem:s22+$0x9CA0];
	v2 =	vadd.f32 v6, v2  }
0x7b: {  	v6 =	vld [tilespmem:s24+$0x8B20]  }
0x7c: {  	v1 =	vadd.f32 v7, v1;
	v2 =	vadd.f32 v3, v2  }
0x7d: {  	v3 =	vld [tilespmem:s24+$0x8DA0]  }
0x7e: {  	v1 =	vadd.f32 v8, v1;
	v2 =	vadd.f32 v5, v2  }
0x7f: {  	v5 =	vld [tilespmem:s24+$0x9020]  }
0x80: {  	v1 =	vadd.f32 v4, v1;
	v2 =	vadd.f32 v6, v2  }
0x81: {  	v4 =	vld [tilespmem:s24+$0x92A0]  }
0x82: {  	[tilespmem:s22+$0x9F20] =	vst v1;
	v1 =	vadd.f32 v3, v2  }
0x83: {  	v2 =	vld [tilespmem:s24+$0x9520]  }
0x84: {  	v1 =	vadd.f32 v5, v1  }
0x85: {  	v3 =	vld [tilespmem:s24+$0x97A0]  }
0x86: {  	v1 =	vadd.f32 v4, v1  }
0x87: {  	v4 =	vld [tilespmem:s24+$0x9A20]  }
0x88: {  	v1 =	vadd.f32 v2, v1  }
0x89: {  	v2 =	vld [tilespmem:s24+$0x9CA0]  }
0x8a: {  	v1 =	vadd.f32 v3, v1;
	_ =	sdelay $0x1  }
0x8b: {  	v1 =	vadd.f32 v4, v1;
	_ =	sdelay $0x1  }
0x8c: {  	v1 =	vadd.f32 v2, v1;
	_ =	sdelay $0x1  }
0x8d: {  	s31 =	simm.s32 $0x0;
	[tilespmem:s24+$0x9F20] =	vst v1  }
0x8e: {  	[hbm4b:s9+s31] =	stream.linear.scatter [tilespmem:s20], [sflag:$0x1], $0x280, $0x38;
	[tilespmem:$0xF1A0] =	vst v63  }
0x8f: {  	_ =	swait.ge [sflag:s14], $0x280  }
0x90: {  	[sflag:s14] =	ssyncset.done $0x0  }
0x91: {  	[sflag:s14] =	ssyncadd.s32 $0xFFFFFD80  }
0x92: {  	[tilespmem:s19], [sflag:$0x1] =	stream.strided.gather [spmem:s10], $0x2800, s18, s17, $0x38;
	[tilespmem:$0xF1A0] =	vst v63  }
0x93: {  	_ =	swait.ge [sflag:s14], $0x2800  }
0x94: {  	[sflag:s14] =	ssyncset.done $0x0  }
0x95: {  	s23 =	simm.s32 $0x0;
	[sflag:s14] =	ssyncadd.s32 $0xFFFFD800  }
0x96: {  	v1 =	vld [tilespmem:s23+$0x7720]  }
0x97: {  	v2 =	vld [tilespmem:s23+$0x79A0];
	_ =	sdelay $0x1  }
0x98: {  	v3 =	vld [tilespmem:s23+$0x7C20];
	_ =	sdelay $0x1  }
0x99: {  	v4 =	vld [tilespmem:s23+$0x7EA0]  }
0x9a: {  	v1 =	vadd.f32 v2, v1  }
0x9b: {  	v2 =	vld [tilespmem:s23+$0x8120]  }
0x9c: {  	v1 =	vadd.f32 v3, v1  }
0x9d: {  	v3 =	vld [tilespmem:s23+$0x83A0]  }
0x9e: {  	v1 =	vadd.f32 v4, v1  }
0x9f: {  	v4 =	vld [tilespmem:s23+$0x8620]  }
0xa0: {  	v1 =	vadd.f32 v2, v1  }
0xa1: {  	v2 =	vld [tilespmem:s23+$0x88A0]  }
0xa2: {  	s22 =	simm.s32 $0x10;
	v5 =	vld [tilespmem:s23+$0x8B20];
	v1 =	vadd.f32 v3, v1  }
0xa3: {  	v6 =	vld [tilespmem:s22+$0x7720]  }
0xa4: {  	v3 =	vld [tilespmem:s23+$0x8DA0];
	v1 =	vadd.f32 v4, v1  }
0xa5: {  	v4 =	vld [tilespmem:s22+$0x79A0]  }
0xa6: {  	v7 =	vld [tilespmem:s22+$0x7C20];
	v1 =	vadd.f32 v2, v1  }
0xa7: {  	v2 =	vld [tilespmem:s23+$0x9020]  }
0xa8: {  	v8 =	vld [tilespmem:s22+$0x7EA0];
	v1 =	vadd.f32 v5, v1  }
0xa9: {  	v5 =	vld [tilespmem:s23+$0x92A0]  }
0xaa: {  	v4 =	vadd.f32 v4, v6;
	v6 =	vld [tilespmem:s22+$0x8120];
	v1 =	vadd.f32 v3, v1  }
0xab: {  	v3 =	vld [tilespmem:s23+$0x9520]  }
0xac: {  	v4 =	vadd.f32 v7, v4;
	v7 =	vld [tilespmem:s22+$0x83A0];
	v1 =	vadd.f32 v2, v1  }
0xad: {  	v2 =	vld [tilespmem:s23+$0x97A0]  }
0xae: {  	v62 =	vld [tilespmem:s22+$0x8620];
	v4 =	vadd.f32 v8, v4;
	v1 =	vadd.f32 v5, v1  }
0xaf: {  	v8 =	vld [tilespmem:s23+$0x9A20]  }
0xb0: {  	v5 =	vadd.f32 v6, v4;
	v4 =	vld [tilespmem:s22+$0x88A0];
	v6 =	vadd.f32 v3, v1  }
0xb1: {  	v3 =	vld [tilespmem:s23+$0x9CA0]  }
0xb2: {  	v1 =	vld [tilespmem:s22+$0x8DA0];
	v7 =	vadd.f32 v7, v5;
	v63 =	vadd.f32 v2, v6  }
0xb3: {  	s24 =	simm.s32 $0x20;
	v5 =	vld [tilespmem:s22+$0x8B20]  }
0xb4: {  	s25 =	simm.s32 $0xC0;
	v2 =	vld [tilespmem:s24+$0x7720];
	v6 =	vadd.f32 v62, v7;
	v7 =	vadd.f32 v8, v63  }
.LBB2_6:
0xb5: {  	p0 =	sne.s32 s25, $0x9C0;
	v8 =	vld [tilespmem:s24+$0x79A0]  }
0xb6: {  	v4 =	vadd.f32 v4, v6;
	v6 =	vld [tilespmem:s22+$0x9020];
	v3 =	vadd.f32 v3, v7  }
0xb7: {  	v7 =	vld [tilespmem:s24+$0x7C20]  }
0xb8: {  	v4 =	vadd.f32 v5, v4;
	v5 =	vld [tilespmem:s22+$0x92A0];
	[tilespmem:s23+$0x9F20] =	vst v3;
	s23 =	smov.u32 s22;
	s22 =	smov.u32 s24  }
0xb9: {  	v3 =	vld [tilespmem:s22+$0x7EA0]  }
0xba: {  	v2 =	vadd.f32 v8, v2;
	v1 =	vadd.f32 v1, v4;
	v4 =	vld [tilespmem:s23+$0x9520]  }
0xbb: {  	v8 =	vld [tilespmem:s22+$0x8120]  }
0xbc: {  	v2 =	vadd.f32 v7, v2;
	v1 =	vadd.f32 v6, v1;
	v6 =	vld [tilespmem:s23+$0x97A0]  }
0xbd: {  	v7 =	vld [tilespmem:s22+$0x83A0]  }
0xbe: {  	v2 =	vadd.f32 v3, v2;
	v1 =	vadd.f32 v5, v1;
	v9 =	vld [tilespmem:s23+$0x9A20]  }
0xbf: {  	v10 =	vld [tilespmem:s22+$0x8620]  }
.Ltmp2:
0xc0: {  	v2 =	vadd.f32 v8, v2;
	v5 =	vadd.f32 v4, v1;
	v3 =	vld [tilespmem:s23+$0x9CA0];
	(pc) =	sbr.rel @p0 .LBB2_6-.Ltmp2, $4  }
0xc1: {  	v4 =	vld [tilespmem:s22+$0x88A0]  }
0xc2: {  	v7 =	vadd.f32 v7, v2;
	v1 =	vld [tilespmem:s22+$0x8DA0];
	v8 =	vadd.f32 v6, v5  }
0xc3: {  	s24 =	sshra.s32 s25, $0x2;
	v5 =	vld [tilespmem:s22+$0x8B20]  }
0xc4: {  	s25 =	sadd.s32 $0x40, s25;
	v2 =	vld [tilespmem:s24+$0x7720];
	v6 =	vadd.f32 v10, v7;
	v7 =	vadd.f32 v9, v8  }
0xc5: {  	v8 =	vld [tilespmem:s24+$0x79A0]  }
0xc6: {  	v9 =	vld [tilespmem:s22+$0x9020];
	v3 =	vadd.f32 v3, v7  }
0xc7: {  	v52 =	vld [tilespmem:s24+$0x7C20]  }
0xc8: {  	v10 =	vld [tilespmem:s22+$0x92A0];
	v4 =	vadd.f32 v4, v6;
	[tilespmem:s23+$0x9F20] =	vst v3  }
0xc9: {  	v3 =	vld [tilespmem:s24+$0x7EA0]  }
0xca: {  	v4 =	vadd.f32 v5, v4;
	v2 =	vadd.f32 v8, v2  }
0xcb: {  	v53 =	vld [tilespmem:s24+$0x8120]  }
0xcc: {  	v54 =	vld [tilespmem:s22+$0x9520];
	v1 =	vadd.f32 v1, v4;
	v2 =	vadd.f32 v52, v2  }
0xcd: {  	v55 =	vld [tilespmem:s24+$0x83A0]  }
0xce: {  	v56 =	vld [tilespmem:s22+$0x97A0];
	v1 =	vadd.f32 v9, v1;
	v2 =	vadd.f32 v3, v2  }
0xcf: {  	v3 =	vld [tilespmem:s24+$0x8620]  }
0xd0: {  	v57 =	vld [tilespmem:s22+$0x9A20];
	v1 =	vadd.f32 v10, v1;
	v2 =	vadd.f32 v53, v2  }
0xd1: {  	v58 =	vld [tilespmem:s24+$0x88A0]  }
0xd2: {  	v59 =	vld [tilespmem:s22+$0x9CA0];
	v1 =	vadd.f32 v54, v1;
	v2 =	vadd.f32 v55, v2  }
0xd3: {  	v60 =	vld [tilespmem:s24+$0x8B20]  }
0xd4: {  	v1 =	vadd.f32 v56, v1;
	v2 =	vadd.f32 v3, v2  }
0xd5: {  	v3 =	vld [tilespmem:s24+$0x8DA0]  }
0xd6: {  	v1 =	vadd.f32 v57, v1;
	v2 =	vadd.f32 v58, v2  }
0xd7: {  	v61 =	vld [tilespmem:s24+$0x9020]  }
0xd8: {  	v1 =	vadd.f32 v59, v1;
	v2 =	vadd.f32 v60, v2  }
0xd9: {  	v62 =	vld [tilespmem:s24+$0x92A0]  }
0xda: {  	[tilespmem:s22+$0x9F20] =	vst v1;
	v1 =	vadd.f32 v3, v2  }
0xdb: {  	v2 =	vld [tilespmem:s24+$0x9520]  }
0xdc: {  	v1 =	vadd.f32 v61, v1  }
0xdd: {  	v3 =	vld [tilespmem:s24+$0x97A0]  }
0xde: {  	v1 =	vadd.f32 v62, v1  }
0xdf: {  	v63 =	vld [tilespmem:s24+$0x9A20]  }
0xe0: {  	v1 =	vadd.f32 v2, v1  }
0xe1: {  	v2 =	vld [tilespmem:s24+$0x9CA0]  }
0xe2: {  	v1 =	vadd.f32 v3, v1;
	_ =	sdelay $0x1  }
0xe3: {  	v1 =	vadd.f32 v63, v1;
	_ =	sdelay $0x1  }
0xe4: {  	s21 =	sadd.s32 $0x1, s21;
	v1 =	vadd.f32 v2, v1  }
0xe5: {  	p0 =	sne.s32 s21, s12  }
.Ltmp3:
0xe6: {  	[tilespmem:s24+$0x9F20] =	vst v1;
	(pc) =	sbr.rel @p0 .LBB2_1-.Ltmp3, $4  }
0xe7: {  	[hbm4b:s11+s3] =	stream.linear.scatter [tilespmem:s20], [sflag:$0x1], $0x280, $0x38;
	[tilespmem:$0xF1A0] =	vst v63  }
0xe8: {  	_ =	swait.ge [sflag:s14], $0x280  }
0xe9: {  	[sflag:s14] =	ssyncset.done $0x0  }
0xea: {  	[sflag:s14] =	ssyncadd.s32 $0xFFFFFD80  }
0xeb: {  	_ =	sfence.sel $0x180000  }
0xec: {  	[bflag:$0x0] =	sbarrier.arrive $0xFFFF  }
0xed: {  	p0 =	sne.s32 s2, $0x0;
	_ =	strace $0x90000047  }
0xee: {  	s0 =	sadd.s32 @!p0 $0x100000, s0;
	[bflag:$0x2] =	sbarrier.arrive $0xFFFF  }
0xef: {  	[sflag:s0] =	ssyncadd.tile.s32 @!p0 $0x1;
	_ =	shalt  }
.Lfunc_end2:
_tile_overlayer_lowered:
.L_overlay_start_2:
0xf0: {  	(tag) =	ssettag $0x2  }
0xf1: {  	s0 =	rddreg [dreg:$0x0];
	s2 =	stileid.u32  }
0xf2: {  	s1 =	rddreg [dreg:$0x1];
	p0 =	sne.s32 s2, $0x0  }
0xf3: {  	s3 =	rddreg [dreg:$0x2];
	[bflag:$0x3] =	sbarrier.arrive $0xFFFF;
	s2 =	simm.s32 @!p0 $0x1C01  }
0xf4: {  	[timem:s3], [sflag:s2] =	dma.local @!p0 [hbm:s0], s1  }
0xf5: {  	s0 =	simm.s32 @!p0 $0x1  }
0xf6: {  	_ =	swait.ge @!p0 [sflag:s0], s1  }
0xf7: {  	s1 =	ssub.s32 @!p0 $0x0, s1;
	[sflag:s0] =	ssyncset.done @!p0 $0x0  }
0xf8: {  	[sflag:s0] =	ssyncadd.s32 @!p0 s1  }
0xf9: {  	[bflag:$0x3] =	sbarrier.arrive $0xFFFF  }
0xfa: {  	_ =	shalt  }

</sc_bundles>
